<compile_context>
chip_gen: v7x
topology: tpu7x:2x2x1
jax: 0.10.2.dev20260603
libtpu: 0.0.44.dev20260713+nightly
codegen_flags: <defaults>
</compile_context>

<pallas_src>
import dataclasses
import functools

import jax
import jax.numpy as jnp
from jax import lax
from jax.experimental import pallas as pl
from jax.experimental.pallas import tpu as pltpu
from jax.experimental.pallas import tpu_sc as plsc

N = 10000
E = 320000
D = 128

BASEN = 5000
ACCR = 5120
CROWS = 48
CH = 96
NCHUNK = 210
NPAIR = NCHUNK // 2
PER_TILE = CH * NCHUNK
EPAD = PER_TILE * 16

_mesh = plsc.VectorSubcoreMesh(core_axis_name="c", subcore_axis_name="s")
_cp = pltpu.CompilerParams()
if "needs_layout_passes" in pltpu.CompilerParams.__dataclass_fields__:
    _cp = dataclasses.replace(_cp, needs_layout_passes=False)


def _sc_body(with_counts, y_hbm, src_hbm, dst_hbm, out_hbm, *refs):
    if with_counts:
        (srcv0, dstv0, dstw0, srcv1, dstv1, dstw1, cidx,
         buf0, buf1, zacc, ctile, acc, sem0, sem1, semi0, semi1) = refs
    else:
        (srcv0, dstv0, dstw0, srcv1, dstv1, dstw1,
         buf0, buf1, zacc, acc, sem0, sem1, semi0, semi1) = refs
    cid = lax.axis_index("c")
    sid = lax.axis_index("s")
    row0 = sid * (ACCR // 16)
    base = cid * BASEN

    @pl.loop(0, 4)
    def _(i):
        @pl.loop(0, D, step=16)
        def _(j):
            zacc[i, pl.ds(j, 16)] = jnp.zeros((16,), jnp.float32)

    if with_counts:
        @pl.loop(0, CROWS)
        def _(i):
            @pl.loop(0, D, step=16)
            def _(j):
                ctile[i, pl.ds(j, 16)] = jnp.zeros((16,), jnp.float32)

        @pl.loop(0, CROWS, step=16)
        def _(i):
            cidx[pl.ds(i, 16)] = lax.iota(jnp.int32, 16) + (BASEN + i)

    @pl.loop(0, ACCR // 16, step=4)
    def _(k):
        pltpu.sync_copy(zacc, acc.at[pl.ds(row0 + k, 4)])

    plsc.subcore_barrier()

    ebase = sid * PER_TILE

    def idxload(off, srcv, dstv, semi):
        pltpu.async_copy(src_hbm.at[pl.ds(off, CH)], srcv, semi)
        pltpu.async_copy(dst_hbm.at[pl.ds(off, CH)], dstv, semi)

    def idxwait(off, srcv, dstv, semi):
        pltpu.make_async_copy(src_hbm.at[pl.ds(off, CH)], srcv, semi).wait()
        pltpu.make_async_copy(dst_hbm.at[pl.ds(off, CH)], dstv, semi).wait()

    def gstart(srcv, buf, sem):
        pltpu.async_copy(y_hbm.at[srcv], buf, sem)

    def gwait(srcv, buf, sem):
        pltpu.make_async_copy(y_hbm.at[srcv], buf, sem).wait()

    def transform(dstv, dstw):
        @pl.loop(0, CH, step=16)
        def _(g):
            d = dstv[pl.ds(g, 16)]
            t = d - base
            inb = (t >= 0) & (t < BASEN)
            jr = (BASEN + CROWS) + lax.iota(jnp.int32, 16) + (g % 64)
            t2 = jnp.where(inb, t, jr)
            dstw[pl.ds(g, 16)] = t2
            if with_counts:
                ts = jnp.where(inb, t, 0)
                row = lax.shift_right_logical(ts, 7)
                col = ts & 127
                plsc.addupdate_scatter(ctile, [row, col],
                                       jnp.ones((16,), jnp.float32), mask=inb)

    pltpu.sync_copy(src_hbm.at[pl.ds(ebase, CH)], srcv0)
    pltpu.sync_copy(dst_hbm.at[pl.ds(ebase, CH)], dstv0)
    gstart(srcv0, buf0, sem0)
    transform(dstv0, dstw0)
    idxload(ebase + CH, srcv1, dstv1, semi1)

    @pl.loop(0, NPAIR)
    def _(k):
        j = ebase + k * (2 * CH)
        idxwait(j + CH, srcv1, dstv1, semi1)
        gstart(srcv1, buf1, sem1)
        transform(dstv1, dstw1)
        gwait(srcv0, buf0, sem0)
        pltpu.sync_copy(buf0, acc.at[dstw0], add=True)

        @pl.when(k != NPAIR - 1)
        def _():
            idxload(j + 2 * CH, srcv0, dstv0, semi0)

        gwait(srcv1, buf1, sem1)
        pltpu.sync_copy(buf1, acc.at[dstw1], add=True)

        @pl.when(k != NPAIR - 1)
        def _():
            idxwait(j + 2 * CH, srcv0, dstv0, semi0)
            gstart(srcv0, buf0, sem0)
            transform(dstv0, dstw0)
            idxload(j + 3 * CH, srcv1, dstv1, semi1)

    if with_counts:
        pltpu.sync_copy(ctile, acc.at[cidx], add=True)
    plsc.subcore_barrier()
    pltpu.sync_copy(acc.at[pl.ds(row0, ACCR // 16)],
                    out_hbm.at[cid, pl.ds(row0, ACCR // 16)])


def _sc_scratch(with_counts):
    s = [
        pltpu.VMEM((CH,), jnp.int32),
        pltpu.VMEM((CH,), jnp.int32),
        pltpu.VMEM((CH,), jnp.int32),
        pltpu.VMEM((CH,), jnp.int32),
        pltpu.VMEM((CH,), jnp.int32),
        pltpu.VMEM((CH,), jnp.int32),
    ]
    if with_counts:
        s.append(pltpu.VMEM((CROWS,), jnp.int32))
    s += [
        pltpu.VMEM((CH, D), jnp.float32),
        pltpu.VMEM((CH, D), jnp.float32),
        pltpu.VMEM((4, D), jnp.float32),
    ]
    if with_counts:
        s.append(pltpu.VMEM((CROWS, D), jnp.float32))
    s += [
        pltpu.VMEM_SHARED((ACCR, D), jnp.float32),
        pltpu.SemaphoreType.DMA,
        pltpu.SemaphoreType.DMA,
        pltpu.SemaphoreType.DMA,
        pltpu.SemaphoreType.DMA,
    ]
    return s


@jax.jit
def _sc_pass_cnt(y, src, dst):
    f = pl.kernel(
        functools.partial(_sc_body, True),
        out_type=jax.ShapeDtypeStruct((2, ACCR, D), jnp.float32),
        mesh=_mesh,
        scratch_types=_sc_scratch(True),
        compiler_params=_cp,
    )
    return f(y, src, dst)


@jax.jit
def _sc_pass(y, src, dst):
    f = pl.kernel(
        functools.partial(_sc_body, False),
        out_type=jax.ShapeDtypeStruct((2, ACCR, D), jnp.float32),
        mesh=_mesh,
        scratch_types=_sc_scratch(False),
        compiler_params=_cp,
    )
    return f(y, src, dst)


def _mm_pre_body(h_ref, wl_ref, wr_ref, b_ref, y_ref, r_ref):
    h = h_ref[...]
    dn = (((1,), (1,)), ((), ()))
    y_ref[...] = lax.dot_general(h, wl_ref[...], dn,
                                 preferred_element_type=jnp.float32)
    r_ref[...] = lax.dot_general(h, wr_ref[...], dn,
                                 preferred_element_type=jnp.float32) + b_ref[...]


def _mm_pre(h, wl, wr, b):
    nb = 10
    rows = N // nb
    return pl.pallas_call(
        _mm_pre_body,
        grid=(nb,),
        in_specs=[
            pl.BlockSpec((rows, D), lambda i: (i, 0)),
            pl.BlockSpec((D, D), lambda i: (0, 0)),
            pl.BlockSpec((D, D), lambda i: (0, 0)),
            pl.BlockSpec((1, D), lambda i: (0, 0)),
        ],
        out_specs=[
            pl.BlockSpec((rows, D), lambda i: (i, 0)),
            pl.BlockSpec((rows, D), lambda i: (i, 0)),
        ],
        out_shape=[
            jax.ShapeDtypeStruct((N, D), jnp.float32),
            jax.ShapeDtypeStruct((N, D), jnp.float32),
        ],
    )(h, wl, wr, b)


def _combine1_body(agg_ref, cnt_ref, r_ref, wl_ref, wr_ref, b_ref,
                   y_ref, r2_ref):
    mean = agg_ref[...] / jnp.maximum(cnt_ref[...], 1.0)
    h = mean + r_ref[...]
    h = jnp.where(h >= 0, h, 0.01 * h)
    dn = (((1,), (1,)), ((), ()))
    y_ref[...] = lax.dot_general(h, wl_ref[...], dn,
                                 preferred_element_type=jnp.float32)
    r2_ref[...] = lax.dot_general(h, wr_ref[...], dn,
                                  preferred_element_type=jnp.float32) + b_ref[...]


def _combine1(agg, cnt, r, wl, wr, b):
    nb = 10
    rows = N // nb
    return pl.pallas_call(
        _combine1_body,
        grid=(nb,),
        in_specs=[
            pl.BlockSpec((rows, D), lambda i: (i, 0)),
            pl.BlockSpec((rows, 1), lambda i: (i, 0)),
            pl.BlockSpec((rows, D), lambda i: (i, 0)),
            pl.BlockSpec((D, D), lambda i: (0, 0)),
            pl.BlockSpec((D, D), lambda i: (0, 0)),
            pl.BlockSpec((1, D), lambda i: (0, 0)),
        ],
        out_specs=[
            pl.BlockSpec((rows, D), lambda i: (i, 0)),
            pl.BlockSpec((rows, D), lambda i: (i, 0)),
        ],
        out_shape=[
            jax.ShapeDtypeStruct((N, D), jnp.float32),
            jax.ShapeDtypeStruct((N, D), jnp.float32),
        ],
    )(agg, cnt, r, wl, wr, b)


def _final_body(agg_ref, cnt_ref, r_ref, o_ref):
    mean = agg_ref[...] / jnp.maximum(cnt_ref[...], 1.0)
    h = mean + r_ref[...]
    m = jnp.max(h, axis=1, keepdims=True)
    ex = jnp.exp(h - m)
    s = jnp.sum(ex, axis=1, keepdims=True)
    o_ref[...] = h - m - jnp.log(s)


def _final(agg, cnt, r):
    nb = 10
    rows = N // nb
    return pl.pallas_call(
        _final_body,
        grid=(nb,),
        in_specs=[
            pl.BlockSpec((rows, D), lambda i: (i, 0)),
            pl.BlockSpec((rows, 1), lambda i: (i, 0)),
            pl.BlockSpec((rows, D), lambda i: (i, 0)),
        ],
        out_specs=pl.BlockSpec((rows, D), lambda i: (i, 0)),
        out_shape=jax.ShapeDtypeStruct((N, D), jnp.float32),
    )(agg, cnt, r)


def _assemble(acc):
    agg = jnp.concatenate([acc[0, :BASEN], acc[1, :BASEN]], axis=0)
    c = acc[:, BASEN:BASEN + CROWS, :].reshape(2, CROWS * D)[:, :BASEN]
    cnt = c.reshape(2 * BASEN, 1)
    return agg, cnt


def kernel(x, edge_index, Wl1, bl1, Wr1, Wl2, bl2, Wr2):
    pad = EPAD - E

    src_p = jnp.concatenate([edge_index[0], jnp.zeros((pad,), jnp.int32)])
    dst_p = jnp.concatenate([edge_index[1], jnp.full((pad,), N, jnp.int32)])
    b1 = bl1.reshape(1, D)
    b2 = bl2.reshape(1, D)

    y1, r1 = _mm_pre(x, Wl1, Wr1, b1)
    acc1 = _sc_pass_cnt(y1, src_p, dst_p)
    agg1, cnt = _assemble(acc1)
    y2, r2 = _combine1(agg1, cnt, r1, Wl2, Wr2, b2)
    acc2 = _sc_pass(y2, src_p, dst_p)
    agg2 = jnp.concatenate([acc2[0, :BASEN], acc2[1, :BASEN]], axis=0)
    out = _final(agg2, cnt, r2)
    return out

# --- scband reference (transcript-rebuilt; emitter-appended) ---
"""Pipeline reference for scband-deepsnap-gnn-32839319945863 (READ-ONLY COPY).

The authoritative reference and input builder live on the scoring server;
editing this copy changes nothing except your own understanding.
"""

import jax, jax.numpy as jnp
import numpy as np

N = 10000
E = 320000
D_IN = 128
D_H = 128


def setup_inputs(seed: int = 0) -> dict:
    key = jax.random.key(seed)
    ks = jax.random.split(key, 10)
    x = jax.random.normal(ks[0], (N, D_IN), dtype=jnp.float32)
    edge_index = jax.random.randint(ks[1], (2, E), 0, N, dtype=jnp.int32)
    s = 0.05
    Wl1 = jax.random.normal(ks[2], (D_H, D_IN), dtype=jnp.float32) * s
    bl1 = jnp.zeros((D_H,), dtype=jnp.float32)
    Wr1 = jax.random.normal(ks[3], (D_H, D_IN), dtype=jnp.float32) * s
    Wl2 = jax.random.normal(ks[4], (D_H, D_H), dtype=jnp.float32) * s
    bl2 = jnp.zeros((D_H,), dtype=jnp.float32)
    Wr2 = jax.random.normal(ks[5], (D_H, D_H), dtype=jnp.float32) * s
    return {"x": x, "edge_index": edge_index, "Wl1": Wl1, "bl1": bl1, "Wr1": Wr1,
            "Wl2": Wl2, "bl2": bl2, "Wr2": Wr2}


def _sage_conv(x, edge_index, Wl, bl, Wr):
    # PyG SAGEConv (aggr='mean', root_weight=True):
    #   out = lin_l(mean_{j in N(i)} x_j) + lin_r(x_i)
    src = edge_index[0]
    dst = edge_index[1]
    msg = jnp.take(x, src, axis=0)                      # gather
    agg = jax.ops.segment_sum(msg, dst, num_segments=N)  # scatter-add
    cnt = jax.ops.segment_sum(jnp.ones((edge_index.shape[1],), x.dtype), dst,
                              num_segments=N)
    mean = agg / jnp.clip(cnt, 1.0, None)[:, None]
    return mean @ Wl.T + bl + x @ Wr.T


def reference(x, edge_index, Wl1, bl1, Wr1, Wl2, bl2, Wr2):
    h = _sage_conv(x, edge_index, Wl1, bl1, Wr1)
    h = jax.nn.leaky_relu(h, negative_slope=0.01)
    h = _sage_conv(h, edge_index, Wl2, bl2, Wr2)
    return jax.nn.log_softmax(h, axis=1)

if __name__ == "__main__":
    import jax
    _d = setup_inputs()
    print(jax.jit(kernel)(*tuple(_d.values())))

</pallas_src>

<mosaic_0001>
#map = affine_map<(d0, d1) -> (0, 0)>
#map1 = affine_map<(d0, d1) -> (0)>
#map2 = affine_map<(d0, d1) -> (0, 0, 0)>
module attributes {stable_mosaic.version = 14 : i64} {
  func.func @_sc_body(%arg0: i32, %arg1: i32, %arg2: memref<10000x128xf32, #tpu.memory_space<hbm>>, %arg3: memref<322560xi32, #tpu.memory_space<hbm>>, %arg4: memref<322560xi32, #tpu.memory_space<hbm>>, %arg5: memref<2x5120x128xf32, #tpu.memory_space<hbm>>, %arg6: memref<96xi32, #tpu.memory_space<vmem>>, %arg7: memref<96xi32, #tpu.memory_space<vmem>>, %arg8: memref<96xi32, #tpu.memory_space<vmem>>, %arg9: memref<96xi32, #tpu.memory_space<vmem>>, %arg10: memref<96xi32, #tpu.memory_space<vmem>>, %arg11: memref<96xi32, #tpu.memory_space<vmem>>, %arg12: memref<48xi32, #tpu.memory_space<vmem>>, %arg13: memref<96x128xf32, #tpu.memory_space<vmem>>, %arg14: memref<96x128xf32, #tpu.memory_space<vmem>>, %arg15: memref<4x128xf32, #tpu.memory_space<vmem>>, %arg16: memref<48x128xf32, #tpu.memory_space<vmem>>, %arg17: memref<5120x128xf32, #tpu.memory_space<vmem_shared>>, %arg18: memref<!tpu.dma_semaphore, #tpu.memory_space<semaphore_mem>>, %arg19: memref<!tpu.dma_semaphore, #tpu.memory_space<semaphore_mem>>, %arg20: memref<!tpu.dma_semaphore, #tpu.memory_space<semaphore_mem>>, %arg21: memref<!tpu.dma_semaphore, #tpu.memory_space<semaphore_mem>>) attributes {dimension_semantics = [#tpu.dimension_semantics<core_parallel>, #tpu.dimension_semantics<subcore_parallel>], iteration_bounds = array<i64: 2, 16>, scalar_prefetch = 0 : i64, scratch_operands = 16 : i64, tpu.core_type = #tpu.core_type<sc_vector_subcore>, window_params = [{transform_indices = #map}, {transform_indices = #map1}, {transform_indices = #map1}, {transform_indices = #map2}]} {
    %mul3A = arith.constant 320 : i32
    %mul3A_0 = arith.muli %arg1, %mul3A : i32
    %mul3A_1 = arith.constant 5000 : i32
    %mul3A_2 = arith.muli %arg0, %mul3A_1 : i32
    %scan3A = arith.constant 0 : i32
    %scan3A_3 = arith.constant 4 : i32
    %scan3A_4 = arith.addi %scan3A, %scan3A_3 : i32
    %scan3A_5 = arith.constant 1 : i32
    scf.for %scan3A_42 = %scan3A to %scan3A_4 step %scan3A_5  : i32 {
      %mul3A_43 = arith.constant 1 : i32
      %mul3A_44 = arith.muli %scan3A_42, %mul3A_43 : i32
      %add3A_45 = arith.constant 0 : i32
      %add3A_46 = arith.addi %add3A_45, %mul3A_44 : i32
      %scan3A_47 = arith.constant 0 : i32
      %scan3A_48 = arith.constant 8 : i32
      %scan3A_49 = arith.addi %scan3A_47, %scan3A_48 : i32
      %scan3A_50 = arith.constant 1 : i32
      scf.for %scan3A_52 = %scan3A_47 to %scan3A_49 step %scan3A_50  : i32 {
        %mul3A_53 = arith.constant 16 : i32
        %mul3A_54 = arith.muli %scan3A_52, %mul3A_53 : i32
        %add3A_55 = arith.constant 0 : i32
        %add3A_56 = arith.addi %add3A_55, %mul3A_54 : i32
        %broadcast_in_dim3A = arith.constant 0.000000e+00 : f32
        %broadcast_in_dim3A_57 = vector.broadcast %broadcast_in_dim3A : f32 to vector<16xf32>
        %swap3A = arith.index_cast %add3A_46 : i32 to index
        %swap3A_58 = arith.index_cast %add3A_56 : i32 to index
        %swap3A_59 = tpu.vector_load %arg15[%swap3A, %swap3A_58] {strides = array<i32>} : memref<4x128xf32, #tpu.memory_space<vmem>>, vector<16xf32>,
        tpu.vector_store %arg15[%swap3A, %swap3A_58], %broadcast_in_dim3A_57 {strides = array<i32>} : memref<4x128xf32, #tpu.memory_space<vmem>>, vector<16xf32>,
      }
      %scan3A_51 = arith.constant 8 : i32
    }
    %scan3A_6 = arith.constant 4 : i32
    %scan3A_7 = arith.constant 0 : i32
    %scan3A_8 = arith.constant 48 : i32
    %scan3A_9 = arith.addi %scan3A_7, %scan3A_8 : i32
    %scan3A_10 = arith.constant 1 : i32
    scf.for %scan3A_42 = %scan3A_7 to %scan3A_9 step %scan3A_10  : i32 {
      %mul3A_43 = arith.constant 1 : i32
      %mul3A_44 = arith.muli %scan3A_42, %mul3A_43 : i32
      %add3A_45 = arith.constant 0 : i32
      %add3A_46 = arith.addi %add3A_45, %mul3A_44 : i32
      %scan3A_47 = arith.constant 0 : i32
      %scan3A_48 = arith.constant 8 : i32
      %scan3A_49 = arith.addi %scan3A_47, %scan3A_48 : i32
      %scan3A_50 = arith.constant 1 : i32
      scf.for %scan3A_52 = %scan3A_47 to %scan3A_49 step %scan3A_50  : i32 {
        %mul3A_53 = arith.constant 16 : i32
        %mul3A_54 = arith.muli %scan3A_52, %mul3A_53 : i32
        %add3A_55 = arith.constant 0 : i32
        %add3A_56 = arith.addi %add3A_55, %mul3A_54 : i32
        %broadcast_in_dim3A = arith.constant 0.000000e+00 : f32
        %broadcast_in_dim3A_57 = vector.broadcast %broadcast_in_dim3A : f32 to vector<16xf32>
        %swap3A = arith.index_cast %add3A_46 : i32 to index
        %swap3A_58 = arith.index_cast %add3A_56 : i32 to index
        %swap3A_59 = tpu.vector_load %arg16[%swap3A, %swap3A_58] {strides = array<i32>} : memref<48x128xf32, #tpu.memory_space<vmem>>, vector<16xf32>,
        tpu.vector_store %arg16[%swap3A, %swap3A_58], %broadcast_in_dim3A_57 {strides = array<i32>} : memref<48x128xf32, #tpu.memory_space<vmem>>, vector<16xf32>,
      }
      %scan3A_51 = arith.constant 8 : i32
    }
    %scan3A_11 = arith.constant 48 : i32
    %scan3A_12 = arith.constant 0 : i32
    %scan3A_13 = arith.constant 3 : i32
    %scan3A_14 = arith.addi %scan3A_12, %scan3A_13 : i32
    %scan3A_15 = arith.constant 1 : i32
    scf.for %scan3A_42 = %scan3A_12 to %scan3A_14 step %scan3A_15  : i32 {
      %mul3A_43 = arith.constant 16 : i32
      %mul3A_44 = arith.muli %scan3A_42, %mul3A_43 : i32
      %add3A_45 = arith.constant 0 : i32
      %add3A_46 = arith.addi %add3A_45, %mul3A_44 : i32
      %iota3A = tpu.iota {dimensions = array<i32: 0>} : vector<16xi32>
      %add3A_47 = arith.constant 5000 : i32
      %add3A_48 = arith.addi %add3A_47, %add3A_46 : i32
      %add3A_49 = vector.broadcast %add3A_48 : i32 to vector<16xi32>
      %add3A_50 = arith.addi %iota3A, %add3A_49 : vector<16xi32>
      %swap3A = arith.index_cast %add3A_46 : i32 to index
      %swap3A_51 = tpu.vector_load %arg12[%swap3A] {strides = array<i32>} : memref<48xi32, #tpu.memory_space<vmem>>, vector<16xi32>,
      tpu.vector_store %arg12[%swap3A], %add3A_50 {strides = array<i32>} : memref<48xi32, #tpu.memory_space<vmem>>, vector<16xi32>,
    }
    %scan3A_16 = arith.constant 3 : i32
    %scan3A_17 = arith.constant 0 : i32
    %scan3A_18 = arith.constant 80 : i32
    %scan3A_19 = arith.addi %scan3A_17, %scan3A_18 : i32
    %scan3A_20 = arith.constant 1 : i32
    scf.for %scan3A_42 = %scan3A_17 to %scan3A_19 step %scan3A_20  : i32 {
      %mul3A_43 = arith.constant 4 : i32
      %mul3A_44 = arith.muli %scan3A_42, %mul3A_43 : i32
      %add3A_45 = arith.constant 0 : i32
      %add3A_46 = arith.addi %add3A_45, %mul3A_44 : i32
      %add3A_47 = arith.addi %mul3A_0, %add3A_46 : i32
      "tpu.region"() ({
        %run_scoped3A = tpu.sem_alloc : memref<!tpu.dma_semaphore, #tpu.memory_space<semaphore_mem>>
        %dma_start3A_48 = arith.constant 0 : i32
        %dma_start3A_49 = tpu.memref_slice %arg17[%add3A_47, %dma_start3A_48] : memref<5120x128xf32, #tpu.memory_space<vmem_shared>> -> memref<4x128xf32, #tpu.memory_space<vmem_shared>>
        %dma_start3A_50 = arith.constant 0 : i32
        %dma_start3A_51 = tpu.memref_slice %arg17[%add3A_47, %dma_start3A_50] : memref<5120x128xf32, #tpu.memory_space<vmem_shared>> -> memref<4x128xf32, #tpu.memory_space<vmem_shared>>
        tpu.enqueue_dma source(%arg15 : memref<4x128xf32, #tpu.memory_space<vmem>>) target(%dma_start3A_51 : memref<4x128xf32, #tpu.memory_space<vmem_shared>>) target_semaphore(%run_scoped3A : memref<!tpu.dma_semaphore, #tpu.memory_space<semaphore_mem>>)
        %dma_wait3A = arith.constant 0 : i32
        %dma_wait3A_52 = tpu.memref_slice %arg17[%add3A_47, %dma_wait3A] : memref<5120x128xf32, #tpu.memory_space<vmem_shared>> -> memref<4x128xf32, #tpu.memory_space<vmem_shared>>
        %dma_wait3A_53 = arith.constant 0 : i32
        %dma_wait3A_54 = tpu.memref_slice %arg17[%add3A_47, %dma_wait3A_53] : memref<5120x128xf32, #tpu.memory_space<vmem_shared>> -> memref<4x128xf32, #tpu.memory_space<vmem_shared>>
        tpu.wait_dma2 semaphore(%run_scoped3A : memref<!tpu.dma_semaphore, #tpu.memory_space<semaphore_mem>>) src(%arg15 : memref<4x128xf32, #tpu.memory_space<vmem>>) dst(%dma_wait3A_54 : memref<4x128xf32, #tpu.memory_space<vmem_shared>>)
        tpu.yield
      }) : () -> ()
    }
    %scan3A_21 = arith.constant 80 : i32
    %barrier3A = arith.constant 0 : index
    tpu.barrier barrier_id(%barrier3A)
    %mul3A_22 = arith.constant 20160 : i32
    %mul3A_23 = arith.muli %arg1, %mul3A_22 : i32
    "tpu.region"() ({
      %run_scoped3A = tpu.sem_alloc : memref<!tpu.dma_semaphore, #tpu.memory_space<semaphore_mem>>
      %dma_start3A_42 = tpu.memref_slice %arg3[%mul3A_23] : memref<322560xi32, #tpu.memory_space<hbm>> -> memref<96xi32, #tpu.memory_space<hbm>>
      %dma_start3A_43 = tpu.memref_slice %arg3[%mul3A_23] : memref<322560xi32, #tpu.memory_space<hbm>> -> memref<96xi32, #tpu.memory_space<hbm>>
      tpu.enqueue_dma source(%dma_start3A_43 : memref<96xi32, #tpu.memory_space<hbm>>) target(%arg6 : memref<96xi32, #tpu.memory_space<vmem>>) target_semaphore(%run_scoped3A : memref<!tpu.dma_semaphore, #tpu.memory_space<semaphore_mem>>)
      %dma_wait3A = tpu.memref_slice %arg3[%mul3A_23] : memref<322560xi32, #tpu.memory_space<hbm>> -> memref<96xi32, #tpu.memory_space<hbm>>
      %dma_wait3A_44 = tpu.memref_slice %arg3[%mul3A_23] : memref<322560xi32, #tpu.memory_space<hbm>> -> memref<96xi32, #tpu.memory_space<hbm>>
      tpu.wait_dma2 semaphore(%run_scoped3A : memref<!tpu.dma_semaphore, #tpu.memory_space<semaphore_mem>>) src(%dma_wait3A_44 : memref<96xi32, #tpu.memory_space<hbm>>) dst(%arg6 : memref<96xi32, #tpu.memory_space<vmem>>)
      tpu.yield
    }) : () -> ()
    "tpu.region"() ({
      %run_scoped3A = tpu.sem_alloc : memref<!tpu.dma_semaphore, #tpu.memory_space<semaphore_mem>>
      %dma_start3A_42 = tpu.memref_slice %arg4[%mul3A_23] : memref<322560xi32, #tpu.memory_space<hbm>> -> memref<96xi32, #tpu.memory_space<hbm>>
      %dma_start3A_43 = tpu.memref_slice %arg4[%mul3A_23] : memref<322560xi32, #tpu.memory_space<hbm>> -> memref<96xi32, #tpu.memory_space<hbm>>
      tpu.enqueue_dma source(%dma_start3A_43 : memref<96xi32, #tpu.memory_space<hbm>>) target(%arg7 : memref<96xi32, #tpu.memory_space<vmem>>) target_semaphore(%run_scoped3A : memref<!tpu.dma_semaphore, #tpu.memory_space<semaphore_mem>>)
      %dma_wait3A = tpu.memref_slice %arg4[%mul3A_23] : memref<322560xi32, #tpu.memory_space<hbm>> -> memref<96xi32, #tpu.memory_space<hbm>>
      %dma_wait3A_44 = tpu.memref_slice %arg4[%mul3A_23] : memref<322560xi32, #tpu.memory_space<hbm>> -> memref<96xi32, #tpu.memory_space<hbm>>
      tpu.wait_dma2 semaphore(%run_scoped3A : memref<!tpu.dma_semaphore, #tpu.memory_space<semaphore_mem>>) src(%dma_wait3A_44 : memref<96xi32, #tpu.memory_space<hbm>>) dst(%arg7 : memref<96xi32, #tpu.memory_space<vmem>>)
      tpu.yield
    }) : () -> ()
    %dma_start3A = arith.constant 0 : i32
    %dma_start3A_24 = arith.constant 0 : i32
    %dma_start3A_25 = tpu.memref_slice %arg2[%dma_start3A, %dma_start3A_24] : memref<10000x128xf32, #tpu.memory_space<hbm>> -> memref<10000x128xf32, #tpu.memory_space<hbm>>
    tpu.enqueue_indirect_dma source(%dma_start3A_25 : memref<10000x128xf32, #tpu.memory_space<hbm>>) target(%arg13 : memref<96x128xf32, #tpu.memory_space<vmem>>) offsets(%arg6 : memref<96xi32, #tpu.memory_space<vmem>>) semaphore(%arg18 : memref<!tpu.dma_semaphore, #tpu.memory_space<semaphore_mem>>)
    %scan3A_26 = arith.constant 0 : i32
    %scan3A_27 = arith.constant 6 : i32
    %scan3A_28 = arith.addi %scan3A_26, %scan3A_27 : i32
    %scan3A_29 = arith.constant 1 : i32
    scf.for %scan3A_42 = %scan3A_26 to %scan3A_28 step %scan3A_29  : i32 {
      %mul3A_43 = arith.constant 16 : i32
      %mul3A_44 = arith.muli %scan3A_42, %mul3A_43 : i32
      %add3A_45 = arith.constant 0 : i32
      %add3A_46 = arith.addi %add3A_45, %mul3A_44 : i32
      %get3A = arith.index_cast %add3A_46 : i32 to index
      %get3A_47 = tpu.vector_load %arg7[%get3A] {strides = array<i32>} : memref<96xi32, #tpu.memory_space<vmem>>, vector<16xi32>,
      %sub3A = vector.broadcast %mul3A_2 : i32 to vector<16xi32>
      %sub3A_48 = arith.subi %get3A_47, %sub3A : vector<16xi32>
      %ge3A = arith.constant 0 : i32
      %ge3A_49 = vector.broadcast %ge3A : i32 to vector<16xi32>
      %ge3A_50 = arith.cmpi sge, %sub3A_48, %ge3A_49 : vector<16xi32>
      %lt3A = arith.constant 5000 : i32
      %lt3A_51 = vector.broadcast %lt3A : i32 to vector<16xi32>
      %lt3A_52 = arith.cmpi slt, %sub3A_48, %lt3A_51 : vector<16xi32>
      %and3A = arith.andi %ge3A_50, %lt3A_52 : vector<16xi1>
      %iota3A = tpu.iota {dimensions = array<i32: 0>} : vector<16xi32>
      %add3A_53 = arith.constant 5048 : i32
      %add3A_54 = vector.broadcast %add3A_53 : i32 to vector<16xi32>
      %add3A_55 = arith.addi %add3A_54, %iota3A : vector<16xi32>
      %jit3A = arith.constant 64 : i32
      %eq3A = arith.constant 0 : i32
      %eq3A_56 = arith.cmpi eq, %jit3A, %eq3A : i32
      %jit3A_57 = arith.constant 1 : i32
      %select_n3A = arith.select %eq3A_56, %jit3A_57, %jit3A : i32
      %rem3A = arith.remsi %add3A_46, %select_n3A : i32
      %ne3A = arith.constant 0 : i32
      %ne3A_58 = arith.cmpi ne, %rem3A, %ne3A : i32
      %lt3A_59 = arith.constant 0 : i32
      %lt3A_60 = arith.cmpi slt, %rem3A, %lt3A_59 : i32
      %lt3A_61 = arith.constant 0 : i32
      %lt3A_62 = arith.cmpi slt, %select_n3A, %lt3A_61 : i32
      %ne3A_63 = arith.xori %lt3A_60, %lt3A_62 : i1
      %and3A_64 = arith.andi %ne3A_63, %ne3A_58 : i1
      %add3A_65 = arith.addi %rem3A, %select_n3A : i32
      %select_n3A_66 = arith.select %and3A_64, %add3A_65, %rem3A : i32
      %add3A_67 = vector.broadcast %select_n3A_66 : i32 to vector<16xi32>
      %add3A_68 = arith.addi %add3A_55, %add3A_67 : vector<16xi32>
      %select_n3A_69 = arith.select %and3A, %sub3A_48, %add3A_68 : vector<16xi1>, vector<16xi32>
      %swap3A = arith.index_cast %add3A_46 : i32 to index
      %swap3A_70 = tpu.vector_load %arg8[%swap3A] {strides = array<i32>} : memref<96xi32, #tpu.memory_space<vmem>>, vector<16xi32>,
      tpu.vector_store %arg8[%swap3A], %select_n3A_69 {strides = array<i32>} : memref<96xi32, #tpu.memory_space<vmem>>, vector<16xi32>,
      %jit3A_71 = arith.constant 0 : i32
      %broadcast_in_dim3A = vector.broadcast %jit3A_71 : i32 to vector<16xi32>
      %select_n3A_72 = arith.select %and3A, %sub3A_48, %broadcast_in_dim3A : vector<16xi1>, vector<16xi32>
      %shift_right_logical3A = arith.constant 7 : i32
      %shift_right_logical3A_73 = vector.broadcast %shift_right_logical3A : i32 to vector<16xi32>
      %shift_right_logical3A_74 = arith.shrui %select_n3A_72, %shift_right_logical3A_73 : vector<16xi32>
      %and3A_75 = arith.constant 127 : i32
      %and3A_76 = vector.broadcast %and3A_75 : i32 to vector<16xi32>
      %and3A_77 = arith.andi %select_n3A_72, %and3A_76 : vector<16xi32>
      %broadcast_in_dim3A_78 = arith.constant 1.000000e+00 : f32
      %broadcast_in_dim3A_79 = vector.broadcast %broadcast_in_dim3A_78 : f32 to vector<16xf32>
      tpu.vector_store_idx %arg16[%shift_right_logical3A_74, %and3A_77], %broadcast_in_dim3A_79 masked %and3A {add = true} : memref<48x128xf32, #tpu.memory_space<vmem>>[vector<16xi32>, vector<16xi32>], vector<16xf32>, vector<16xi1>
    }
    %scan3A_30 = arith.constant 6 : i32
    %add3A = arith.constant 96 : i32
    %add3A_31 = arith.addi %mul3A_23, %add3A : i32
    %dma_start3A_32 = tpu.memref_slice %arg3[%add3A_31] : memref<322560xi32, #tpu.memory_space<hbm>> -> memref<96xi32, #tpu.memory_space<hbm>>
    %dma_start3A_33 = tpu.memref_slice %arg3[%add3A_31] : memref<322560xi32, #tpu.memory_space<hbm>> -> memref<96xi32, #tpu.memory_space<hbm>>
    tpu.enqueue_dma source(%dma_start3A_33 : memref<96xi32, #tpu.memory_space<hbm>>) target(%arg9 : memref<96xi32, #tpu.memory_space<vmem>>) target_semaphore(%arg21 : memref<!tpu.dma_semaphore, #tpu.memory_space<semaphore_mem>>)
    %dma_start3A_34 = tpu.memref_slice %arg4[%add3A_31] : memref<322560xi32, #tpu.memory_space<hbm>> -> memref<96xi32, #tpu.memory_space<hbm>>
    %dma_start3A_35 = tpu.memref_slice %arg4[%add3A_31] : memref<322560xi32, #tpu.memory_space<hbm>> -> memref<96xi32, #tpu.memory_space<hbm>>
    tpu.enqueue_dma source(%dma_start3A_35 : memref<96xi32, #tpu.memory_space<hbm>>) target(%arg10 : memref<96xi32, #tpu.memory_space<vmem>>) target_semaphore(%arg21 : memref<!tpu.dma_semaphore, #tpu.memory_space<semaphore_mem>>)
    %scan3A_36 = arith.constant 0 : i32
    %scan3A_37 = arith.constant 105 : i32
    %scan3A_38 = arith.addi %scan3A_36, %scan3A_37 : i32
    %scan3A_39 = arith.constant 1 : i32
    scf.for %scan3A_42 = %scan3A_36 to %scan3A_38 step %scan3A_39  : i32 {
      %mul3A_43 = arith.constant 1 : i32
      %mul3A_44 = arith.muli %scan3A_42, %mul3A_43 : i32
      %add3A_45 = arith.constant 0 : i32
      %add3A_46 = arith.addi %add3A_45, %mul3A_44 : i32
      %mul3A_47 = arith.constant 192 : i32
      %mul3A_48 = arith.muli %add3A_46, %mul3A_47 : i32
      %add3A_49 = arith.addi %mul3A_23, %mul3A_48 : i32
      %add3A_50 = arith.constant 96 : i32
      %add3A_51 = arith.addi %add3A_49, %add3A_50 : i32
      %dma_wait3A = tpu.memref_slice %arg3[%add3A_51] : memref<322560xi32, #tpu.memory_space<hbm>> -> memref<96xi32, #tpu.memory_space<hbm>>
      %dma_wait3A_52 = tpu.memref_slice %arg3[%add3A_51] : memref<322560xi32, #tpu.memory_space<hbm>> -> memref<96xi32, #tpu.memory_space<hbm>>
      tpu.wait_dma2 semaphore(%arg21 : memref<!tpu.dma_semaphore, #tpu.memory_space<semaphore_mem>>) src(%dma_wait3A_52 : memref<96xi32, #tpu.memory_space<hbm>>) dst(%arg9 : memref<96xi32, #tpu.memory_space<vmem>>)
      %dma_wait3A_53 = tpu.memref_slice %arg4[%add3A_51] : memref<322560xi32, #tpu.memory_space<hbm>> -> memref<96xi32, #tpu.memory_space<hbm>>
      %dma_wait3A_54 = tpu.memref_slice %arg4[%add3A_51] : memref<322560xi32, #tpu.memory_space<hbm>> -> memref<96xi32, #tpu.memory_space<hbm>>
      tpu.wait_dma2 semaphore(%arg21 : memref<!tpu.dma_semaphore, #tpu.memory_space<semaphore_mem>>) src(%dma_wait3A_54 : memref<96xi32, #tpu.memory_space<hbm>>) dst(%arg10 : memref<96xi32, #tpu.memory_space<vmem>>)
      %dma_start3A_55 = arith.constant 0 : i32
      %dma_start3A_56 = arith.constant 0 : i32
      %dma_start3A_57 = tpu.memref_slice %arg2[%dma_start3A_55, %dma_start3A_56] : memref<10000x128xf32, #tpu.memory_space<hbm>> -> memref<10000x128xf32, #tpu.memory_space<hbm>>
      tpu.enqueue_indirect_dma source(%dma_start3A_57 : memref<10000x128xf32, #tpu.memory_space<hbm>>) target(%arg14 : memref<96x128xf32, #tpu.memory_space<vmem>>) offsets(%arg9 : memref<96xi32, #tpu.memory_space<vmem>>) semaphore(%arg19 : memref<!tpu.dma_semaphore, #tpu.memory_space<semaphore_mem>>)
      %scan3A_58 = arith.constant 0 : i32
      %scan3A_59 = arith.constant 6 : i32
      %scan3A_60 = arith.addi %scan3A_58, %scan3A_59 : i32
      %scan3A_61 = arith.constant 1 : i32
      scf.for %scan3A_76 = %scan3A_58 to %scan3A_60 step %scan3A_61  : i32 {
        %mul3A_77 = arith.constant 16 : i32
        %mul3A_78 = arith.muli %scan3A_76, %mul3A_77 : i32
        %add3A_79 = arith.constant 0 : i32
        %add3A_80 = arith.addi %add3A_79, %mul3A_78 : i32
        %get3A = arith.index_cast %add3A_80 : i32 to index
        %get3A_81 = tpu.vector_load %arg10[%get3A] {strides = array<i32>} : memref<96xi32, #tpu.memory_space<vmem>>, vector<16xi32>,
        %sub3A = vector.broadcast %mul3A_2 : i32 to vector<16xi32>
        %sub3A_82 = arith.subi %get3A_81, %sub3A : vector<16xi32>
        %ge3A = arith.constant 0 : i32
        %ge3A_83 = vector.broadcast %ge3A : i32 to vector<16xi32>
        %ge3A_84 = arith.cmpi sge, %sub3A_82, %ge3A_83 : vector<16xi32>
        %lt3A = arith.constant 5000 : i32
        %lt3A_85 = vector.broadcast %lt3A : i32 to vector<16xi32>
        %lt3A_86 = arith.cmpi slt, %sub3A_82, %lt3A_85 : vector<16xi32>
        %and3A = arith.andi %ge3A_84, %lt3A_86 : vector<16xi1>
        %iota3A = tpu.iota {dimensions = array<i32: 0>} : vector<16xi32>
        %add3A_87 = arith.constant 5048 : i32
        %add3A_88 = vector.broadcast %add3A_87 : i32 to vector<16xi32>
        %add3A_89 = arith.addi %add3A_88, %iota3A : vector<16xi32>
        %jit3A = arith.constant 64 : i32
        %eq3A = arith.constant 0 : i32
        %eq3A_90 = arith.cmpi eq, %jit3A, %eq3A : i32
        %jit3A_91 = arith.constant 1 : i32
        %select_n3A = arith.select %eq3A_90, %jit3A_91, %jit3A : i32
        %rem3A = arith.remsi %add3A_80, %select_n3A : i32
        %ne3A_92 = arith.constant 0 : i32
        %ne3A_93 = arith.cmpi ne, %rem3A, %ne3A_92 : i32
        %lt3A_94 = arith.constant 0 : i32
        %lt3A_95 = arith.cmpi slt, %rem3A, %lt3A_94 : i32
        %lt3A_96 = arith.constant 0 : i32
        %lt3A_97 = arith.cmpi slt, %select_n3A, %lt3A_96 : i32
        %ne3A_98 = arith.xori %lt3A_95, %lt3A_97 : i1
        %and3A_99 = arith.andi %ne3A_98, %ne3A_93 : i1
        %add3A_100 = arith.addi %rem3A, %select_n3A : i32
        %select_n3A_101 = arith.select %and3A_99, %add3A_100, %rem3A : i32
        %add3A_102 = vector.broadcast %select_n3A_101 : i32 to vector<16xi32>
        %add3A_103 = arith.addi %add3A_89, %add3A_102 : vector<16xi32>
        %select_n3A_104 = arith.select %and3A, %sub3A_82, %add3A_103 : vector<16xi1>, vector<16xi32>
        %swap3A = arith.index_cast %add3A_80 : i32 to index
        %swap3A_105 = tpu.vector_load %arg11[%swap3A] {strides = array<i32>} : memref<96xi32, #tpu.memory_space<vmem>>, vector<16xi32>,
        tpu.vector_store %arg11[%swap3A], %select_n3A_104 {strides = array<i32>} : memref<96xi32, #tpu.memory_space<vmem>>, vector<16xi32>,
        %jit3A_106 = arith.constant 0 : i32
        %broadcast_in_dim3A = vector.broadcast %jit3A_106 : i32 to vector<16xi32>
        %select_n3A_107 = arith.select %and3A, %sub3A_82, %broadcast_in_dim3A : vector<16xi1>, vector<16xi32>
        %shift_right_logical3A = arith.constant 7 : i32
        %shift_right_logical3A_108 = vector.broadcast %shift_right_logical3A : i32 to vector<16xi32>
        %shift_right_logical3A_109 = arith.shrui %select_n3A_107, %shift_right_logical3A_108 : vector<16xi32>
        %and3A_110 = arith.constant 127 : i32
        %and3A_111 = vector.broadcast %and3A_110 : i32 to vector<16xi32>
        %and3A_112 = arith.andi %select_n3A_107, %and3A_111 : vector<16xi32>
        %broadcast_in_dim3A_113 = arith.constant 1.000000e+00 : f32
        %broadcast_in_dim3A_114 = vector.broadcast %broadcast_in_dim3A_113 : f32 to vector<16xf32>
        tpu.vector_store_idx %arg16[%shift_right_logical3A_109, %and3A_112], %broadcast_in_dim3A_114 masked %and3A {add = true} : memref<48x128xf32, #tpu.memory_space<vmem>>[vector<16xi32>, vector<16xi32>], vector<16xf32>, vector<16xi1>
      }
      %scan3A_62 = arith.constant 6 : i32
      %dma_wait3A_63 = arith.constant 0 : i32
      %dma_wait3A_64 = arith.constant 0 : i32
      %dma_wait3A_65 = tpu.memref_slice %arg2[%dma_wait3A_63, %dma_wait3A_64] : memref<10000x128xf32, #tpu.memory_space<hbm>> -> memref<10000x128xf32, #tpu.memory_space<hbm>>
      tpu.wait_indirect_dma semaphore(%arg18 : memref<!tpu.dma_semaphore, #tpu.memory_space<semaphore_mem>>) src(%dma_wait3A_65 : memref<10000x128xf32, #tpu.memory_space<hbm>>) dst(%arg13 : memref<96x128xf32, #tpu.memory_space<vmem>>)
      "tpu.region"() ({
        %run_scoped3A = tpu.sem_alloc : memref<!tpu.dma_semaphore, #tpu.memory_space<semaphore_mem>>
        %dma_start3A_76 = arith.constant 0 : i32
        %dma_start3A_77 = arith.constant 0 : i32
        %dma_start3A_78 = tpu.memref_slice %arg17[%dma_start3A_76, %dma_start3A_77] : memref<5120x128xf32, #tpu.memory_space<vmem_shared>> -> memref<5120x128xf32, #tpu.memory_space<vmem_shared>>
        tpu.enqueue_indirect_dma source(%arg13 : memref<96x128xf32, #tpu.memory_space<vmem>>) target(%dma_start3A_78 : memref<5120x128xf32, #tpu.memory_space<vmem_shared>>) offsets(%arg8 : memref<96xi32, #tpu.memory_space<vmem>>) semaphore(%run_scoped3A : memref<!tpu.dma_semaphore, #tpu.memory_space<semaphore_mem>>) {add = true}
        %dma_wait3A_79 = arith.constant 0 : i32
        %dma_wait3A_80 = arith.constant 0 : i32
        %dma_wait3A_81 = tpu.memref_slice %arg17[%dma_wait3A_79, %dma_wait3A_80] : memref<5120x128xf32, #tpu.memory_space<vmem_shared>> -> memref<5120x128xf32, #tpu.memory_space<vmem_shared>>
        tpu.wait_indirect_dma semaphore(%run_scoped3A : memref<!tpu.dma_semaphore, #tpu.memory_space<semaphore_mem>>) src(%arg13 : memref<96x128xf32, #tpu.memory_space<vmem>>) dst(%dma_wait3A_81 : memref<5120x128xf32, #tpu.memory_space<vmem_shared>>)
        tpu.yield
      }) : () -> ()
      %ne3A = arith.constant 104 : i32
      %ne3A_66 = arith.cmpi ne, %add3A_46, %ne3A : i32
      %convert_element_type3A = arith.extui %ne3A_66 : i1 to i32
      %cond3A = arith.constant 0 : i32
      %cond3A_67 = arith.cmpi ne, %convert_element_type3A, %cond3A : i32
      scf.if %cond3A_67 {
        %add3A_76 = arith.constant 192 : i32
        %add3A_77 = arith.addi %add3A_49, %add3A_76 : i32
        %dma_start3A_78 = tpu.memref_slice %arg3[%add3A_77] : memref<322560xi32, #tpu.memory_space<hbm>> -> memref<96xi32, #tpu.memory_space<hbm>>
        %dma_start3A_79 = tpu.memref_slice %arg3[%add3A_77] : memref<322560xi32, #tpu.memory_space<hbm>> -> memref<96xi32, #tpu.memory_space<hbm>>
        tpu.enqueue_dma source(%dma_start3A_79 : memref<96xi32, #tpu.memory_space<hbm>>) target(%arg6 : memref<96xi32, #tpu.memory_space<vmem>>) target_semaphore(%arg20 : memref<!tpu.dma_semaphore, #tpu.memory_space<semaphore_mem>>)
        %dma_start3A_80 = tpu.memref_slice %arg4[%add3A_77] : memref<322560xi32, #tpu.memory_space<hbm>> -> memref<96xi32, #tpu.memory_space<hbm>>
        %dma_start3A_81 = tpu.memref_slice %arg4[%add3A_77] : memref<322560xi32, #tpu.memory_space<hbm>> -> memref<96xi32, #tpu.memory_space<hbm>>
        tpu.enqueue_dma source(%dma_start3A_81 : memref<96xi32, #tpu.memory_space<hbm>>) target(%arg7 : memref<96xi32, #tpu.memory_space<vmem>>) target_semaphore(%arg20 : memref<!tpu.dma_semaphore, #tpu.memory_space<semaphore_mem>>)
      } else {
      }
      %dma_wait3A_68 = arith.constant 0 : i32
      %dma_wait3A_69 = arith.constant 0 : i32
      %dma_wait3A_70 = tpu.memref_slice %arg2[%dma_wait3A_68, %dma_wait3A_69] : memref<10000x128xf32, #tpu.memory_space<hbm>> -> memref<10000x128xf32, #tpu.memory_space<hbm>>
      tpu.wait_indirect_dma semaphore(%arg19 : memref<!tpu.dma_semaphore, #tpu.memory_space<semaphore_mem>>) src(%dma_wait3A_70 : memref<10000x128xf32, #tpu.memory_space<hbm>>) dst(%arg14 : memref<96x128xf32, #tpu.memory_space<vmem>>)
      "tpu.region"() ({
        %run_scoped3A = tpu.sem_alloc : memref<!tpu.dma_semaphore, #tpu.memory_space<semaphore_mem>>
        %dma_start3A_76 = arith.constant 0 : i32
        %dma_start3A_77 = arith.constant 0 : i32
        %dma_start3A_78 = tpu.memref_slice %arg17[%dma_start3A_76, %dma_start3A_77] : memref<5120x128xf32, #tpu.memory_space<vmem_shared>> -> memref<5120x128xf32, #tpu.memory_space<vmem_shared>>
        tpu.enqueue_indirect_dma source(%arg14 : memref<96x128xf32, #tpu.memory_space<vmem>>) target(%dma_start3A_78 : memref<5120x128xf32, #tpu.memory_space<vmem_shared>>) offsets(%arg11 : memref<96xi32, #tpu.memory_space<vmem>>) semaphore(%run_scoped3A : memref<!tpu.dma_semaphore, #tpu.memory_space<semaphore_mem>>) {add = true}
        %dma_wait3A_79 = arith.constant 0 : i32
        %dma_wait3A_80 = arith.constant 0 : i32
        %dma_wait3A_81 = tpu.memref_slice %arg17[%dma_wait3A_79, %dma_wait3A_80] : memref<5120x128xf32, #tpu.memory_space<vmem_shared>> -> memref<5120x128xf32, #tpu.memory_space<vmem_shared>>
        tpu.wait_indirect_dma semaphore(%run_scoped3A : memref<!tpu.dma_semaphore, #tpu.memory_space<semaphore_mem>>) src(%arg14 : memref<96x128xf32, #tpu.memory_space<vmem>>) dst(%dma_wait3A_81 : memref<5120x128xf32, #tpu.memory_space<vmem_shared>>)
        tpu.yield
      }) : () -> ()
      %ne3A_71 = arith.constant 104 : i32
      %ne3A_72 = arith.cmpi ne, %add3A_46, %ne3A_71 : i32
      %convert_element_type3A_73 = arith.extui %ne3A_72 : i1 to i32
      %cond3A_74 = arith.constant 0 : i32
      %cond3A_75 = arith.cmpi ne, %convert_element_type3A_73, %cond3A_74 : i32
      scf.if %cond3A_75 {
        %add3A_76 = arith.constant 192 : i32
        %add3A_77 = arith.addi %add3A_49, %add3A_76 : i32
        %dma_wait3A_78 = tpu.memref_slice %arg3[%add3A_77] : memref<322560xi32, #tpu.memory_space<hbm>> -> memref<96xi32, #tpu.memory_space<hbm>>
        %dma_wait3A_79 = tpu.memref_slice %arg3[%add3A_77] : memref<322560xi32, #tpu.memory_space<hbm>> -> memref<96xi32, #tpu.memory_space<hbm>>
        tpu.wait_dma2 semaphore(%arg20 : memref<!tpu.dma_semaphore, #tpu.memory_space<semaphore_mem>>) src(%dma_wait3A_79 : memref<96xi32, #tpu.memory_space<hbm>>) dst(%arg6 : memref<96xi32, #tpu.memory_space<vmem>>)
        %dma_wait3A_80 = tpu.memref_slice %arg4[%add3A_77] : memref<322560xi32, #tpu.memory_space<hbm>> -> memref<96xi32, #tpu.memory_space<hbm>>
        %dma_wait3A_81 = tpu.memref_slice %arg4[%add3A_77] : memref<322560xi32, #tpu.memory_space<hbm>> -> memref<96xi32, #tpu.memory_space<hbm>>
        tpu.wait_dma2 semaphore(%arg20 : memref<!tpu.dma_semaphore, #tpu.memory_space<semaphore_mem>>) src(%dma_wait3A_81 : memref<96xi32, #tpu.memory_space<hbm>>) dst(%arg7 : memref<96xi32, #tpu.memory_space<vmem>>)
        %dma_start3A_82 = arith.constant 0 : i32
        %dma_start3A_83 = arith.constant 0 : i32
        %dma_start3A_84 = tpu.memref_slice %arg2[%dma_start3A_82, %dma_start3A_83] : memref<10000x128xf32, #tpu.memory_space<hbm>> -> memref<10000x128xf32, #tpu.memory_space<hbm>>
        tpu.enqueue_indirect_dma source(%dma_start3A_84 : memref<10000x128xf32, #tpu.memory_space<hbm>>) target(%arg13 : memref<96x128xf32, #tpu.memory_space<vmem>>) offsets(%arg6 : memref<96xi32, #tpu.memory_space<vmem>>) semaphore(%arg18 : memref<!tpu.dma_semaphore, #tpu.memory_space<semaphore_mem>>)
        %scan3A_85 = arith.constant 0 : i32
        %scan3A_86 = arith.constant 6 : i32
        %scan3A_87 = arith.addi %scan3A_85, %scan3A_86 : i32
        %scan3A_88 = arith.constant 1 : i32
        scf.for %scan3A_96 = %scan3A_85 to %scan3A_87 step %scan3A_88  : i32 {
          %mul3A_97 = arith.constant 16 : i32
          %mul3A_98 = arith.muli %scan3A_96, %mul3A_97 : i32
          %add3A_99 = arith.constant 0 : i32
          %add3A_100 = arith.addi %add3A_99, %mul3A_98 : i32
          %get3A = arith.index_cast %add3A_100 : i32 to index
          %get3A_101 = tpu.vector_load %arg7[%get3A] {strides = array<i32>} : memref<96xi32, #tpu.memory_space<vmem>>, vector<16xi32>,
          %sub3A = vector.broadcast %mul3A_2 : i32 to vector<16xi32>
          %sub3A_102 = arith.subi %get3A_101, %sub3A : vector<16xi32>
          %ge3A = arith.constant 0 : i32
          %ge3A_103 = vector.broadcast %ge3A : i32 to vector<16xi32>
          %ge3A_104 = arith.cmpi sge, %sub3A_102, %ge3A_103 : vector<16xi32>
          %lt3A = arith.constant 5000 : i32
          %lt3A_105 = vector.broadcast %lt3A : i32 to vector<16xi32>
          %lt3A_106 = arith.cmpi slt, %sub3A_102, %lt3A_105 : vector<16xi32>
          %and3A = arith.andi %ge3A_104, %lt3A_106 : vector<16xi1>
          %iota3A = tpu.iota {dimensions = array<i32: 0>} : vector<16xi32>
          %add3A_107 = arith.constant 5048 : i32
          %add3A_108 = vector.broadcast %add3A_107 : i32 to vector<16xi32>
          %add3A_109 = arith.addi %add3A_108, %iota3A : vector<16xi32>
          %jit3A = arith.constant 64 : i32
          %eq3A = arith.constant 0 : i32
          %eq3A_110 = arith.cmpi eq, %jit3A, %eq3A : i32
          %jit3A_111 = arith.constant 1 : i32
          %select_n3A = arith.select %eq3A_110, %jit3A_111, %jit3A : i32
          %rem3A = arith.remsi %add3A_100, %select_n3A : i32
          %ne3A_112 = arith.constant 0 : i32
          %ne3A_113 = arith.cmpi ne, %rem3A, %ne3A_112 : i32
          %lt3A_114 = arith.constant 0 : i32
          %lt3A_115 = arith.cmpi slt, %rem3A, %lt3A_114 : i32
          %lt3A_116 = arith.constant 0 : i32
          %lt3A_117 = arith.cmpi slt, %select_n3A, %lt3A_116 : i32
          %ne3A_118 = arith.xori %lt3A_115, %lt3A_117 : i1
          %and3A_119 = arith.andi %ne3A_118, %ne3A_113 : i1
          %add3A_120 = arith.addi %rem3A, %select_n3A : i32
          %select_n3A_121 = arith.select %and3A_119, %add3A_120, %rem3A : i32
          %add3A_122 = vector.broadcast %select_n3A_121 : i32 to vector<16xi32>
          %add3A_123 = arith.addi %add3A_109, %add3A_122 : vector<16xi32>
          %select_n3A_124 = arith.select %and3A, %sub3A_102, %add3A_123 : vector<16xi1>, vector<16xi32>
          %swap3A = arith.index_cast %add3A_100 : i32 to index
          %swap3A_125 = tpu.vector_load %arg8[%swap3A] {strides = array<i32>} : memref<96xi32, #tpu.memory_space<vmem>>, vector<16xi32>,
          tpu.vector_store %arg8[%swap3A], %select_n3A_124 {strides = array<i32>} : memref<96xi32, #tpu.memory_space<vmem>>, vector<16xi32>,
          %jit3A_126 = arith.constant 0 : i32
          %broadcast_in_dim3A = vector.broadcast %jit3A_126 : i32 to vector<16xi32>
          %select_n3A_127 = arith.select %and3A, %sub3A_102, %broadcast_in_dim3A : vector<16xi1>, vector<16xi32>
          %shift_right_logical3A = arith.constant 7 : i32
          %shift_right_logical3A_128 = vector.broadcast %shift_right_logical3A : i32 to vector<16xi32>
          %shift_right_logical3A_129 = arith.shrui %select_n3A_127, %shift_right_logical3A_128 : vector<16xi32>
          %and3A_130 = arith.constant 127 : i32
          %and3A_131 = vector.broadcast %and3A_130 : i32 to vector<16xi32>
          %and3A_132 = arith.andi %select_n3A_127, %and3A_131 : vector<16xi32>
          %broadcast_in_dim3A_133 = arith.constant 1.000000e+00 : f32
          %broadcast_in_dim3A_134 = vector.broadcast %broadcast_in_dim3A_133 : f32 to vector<16xf32>
          tpu.vector_store_idx %arg16[%shift_right_logical3A_129, %and3A_132], %broadcast_in_dim3A_134 masked %and3A {add = true} : memref<48x128xf32, #tpu.memory_space<vmem>>[vector<16xi32>, vector<16xi32>], vector<16xf32>, vector<16xi1>
        }
        %scan3A_89 = arith.constant 6 : i32
        %add3A_90 = arith.constant 288 : i32
        %add3A_91 = arith.addi %add3A_49, %add3A_90 : i32
        %dma_start3A_92 = tpu.memref_slice %arg3[%add3A_91] : memref<322560xi32, #tpu.memory_space<hbm>> -> memref<96xi32, #tpu.memory_space<hbm>>
        %dma_start3A_93 = tpu.memref_slice %arg3[%add3A_91] : memref<322560xi32, #tpu.memory_space<hbm>> -> memref<96xi32, #tpu.memory_space<hbm>>
        tpu.enqueue_dma source(%dma_start3A_93 : memref<96xi32, #tpu.memory_space<hbm>>) target(%arg9 : memref<96xi32, #tpu.memory_space<vmem>>) target_semaphore(%arg21 : memref<!tpu.dma_semaphore, #tpu.memory_space<semaphore_mem>>)
        %dma_start3A_94 = tpu.memref_slice %arg4[%add3A_91] : memref<322560xi32, #tpu.memory_space<hbm>> -> memref<96xi32, #tpu.memory_space<hbm>>
        %dma_start3A_95 = tpu.memref_slice %arg4[%add3A_91] : memref<322560xi32, #tpu.memory_space<hbm>> -> memref<96xi32, #tpu.memory_space<hbm>>
        tpu.enqueue_dma source(%dma_start3A_95 : memref<96xi32, #tpu.memory_space<hbm>>) target(%arg10 : memref<96xi32, #tpu.memory_space<vmem>>) target_semaphore(%arg21 : memref<!tpu.dma_semaphore, #tpu.memory_space<semaphore_mem>>)
      } else {
      }
    }
    %scan3A_40 = arith.constant 105 : i32
    "tpu.region"() ({
      %run_scoped3A = tpu.sem_alloc : memref<!tpu.dma_semaphore, #tpu.memory_space<semaphore_mem>>
      %dma_start3A_42 = arith.constant 0 : i32
      %dma_start3A_43 = arith.constant 0 : i32
      %dma_start3A_44 = tpu.memref_slice %arg17[%dma_start3A_42, %dma_start3A_43] : memref<5120x128xf32, #tpu.memory_space<vmem_shared>> -> memref<5120x128xf32, #tpu.memory_space<vmem_shared>>
      tpu.enqueue_indirect_dma source(%arg16 : memref<48x128xf32, #tpu.memory_space<vmem>>) target(%dma_start3A_44 : memref<5120x128xf32, #tpu.memory_space<vmem_shared>>) offsets(%arg12 : memref<48xi32, #tpu.memory_space<vmem>>) semaphore(%run_scoped3A : memref<!tpu.dma_semaphore, #tpu.memory_space<semaphore_mem>>) {add = true}
      %dma_wait3A = arith.constant 0 : i32
      %dma_wait3A_45 = arith.constant 0 : i32
      %dma_wait3A_46 = tpu.memref_slice %arg17[%dma_wait3A, %dma_wait3A_45] : memref<5120x128xf32, #tpu.memory_space<vmem_shared>> -> memref<5120x128xf32, #tpu.memory_space<vmem_shared>>
      tpu.wait_indirect_dma semaphore(%run_scoped3A : memref<!tpu.dma_semaphore, #tpu.memory_space<semaphore_mem>>) src(%arg16 : memref<48x128xf32, #tpu.memory_space<vmem>>) dst(%dma_wait3A_46 : memref<5120x128xf32, #tpu.memory_space<vmem_shared>>)
      tpu.yield
    }) : () -> ()
    %barrier3A_41 = arith.constant 0 : index
    tpu.barrier barrier_id(%barrier3A_41)
    "tpu.region"() ({
      %run_scoped3A = tpu.sem_alloc : memref<!tpu.dma_semaphore, #tpu.memory_space<semaphore_mem>>
      %dma_start3A_42 = arith.constant 0 : i32
      %dma_start3A_43 = tpu.memref_slice %arg5[%arg0, %mul3A_0, %dma_start3A_42] : memref<2x5120x128xf32, #tpu.memory_space<hbm>> -> memref<1x320x128xf32, #tpu.memory_space<hbm>>
      %dma_start3A_44 = tpu.memref_squeeze %dma_start3A_43 : memref<1x320x128xf32, #tpu.memory_space<hbm>> -> memref<320x128xf32, #tpu.memory_space<hbm>>
      %dma_start3A_45 = arith.constant 0 : i32
      %dma_start3A_46 = tpu.memref_slice %arg17[%mul3A_0, %dma_start3A_45] : memref<5120x128xf32, #tpu.memory_space<vmem_shared>> -> memref<320x128xf32, #tpu.memory_space<vmem_shared>>
      tpu.enqueue_dma source(%dma_start3A_46 : memref<320x128xf32, #tpu.memory_space<vmem_shared>>) target(%dma_start3A_44 : memref<320x128xf32, #tpu.memory_space<hbm>>) target_semaphore(%run_scoped3A : memref<!tpu.dma_semaphore, #tpu.memory_space<semaphore_mem>>)
      %dma_wait3A = arith.constant 0 : i32
      %dma_wait3A_47 = tpu.memref_slice %arg5[%arg0, %mul3A_0, %dma_wait3A] : memref<2x5120x128xf32, #tpu.memory_space<hbm>> -> memref<1x320x128xf32, #tpu.memory_space<hbm>>
      %dma_wait3A_48 = tpu.memref_squeeze %dma_wait3A_47 : memref<1x320x128xf32, #tpu.memory_space<hbm>> -> memref<320x128xf32, #tpu.memory_space<hbm>>
      %dma_wait3A_49 = arith.constant 0 : i32
      %dma_wait3A_50 = tpu.memref_slice %arg17[%mul3A_0, %dma_wait3A_49] : memref<5120x128xf32, #tpu.memory_space<vmem_shared>> -> memref<320x128xf32, #tpu.memory_space<vmem_shared>>
      tpu.wait_dma2 semaphore(%run_scoped3A : memref<!tpu.dma_semaphore, #tpu.memory_space<semaphore_mem>>) src(%dma_wait3A_50 : memref<320x128xf32, #tpu.memory_space<vmem_shared>>) dst(%dma_wait3A_48 : memref<320x128xf32, #tpu.memory_space<hbm>>)
      tpu.yield
    }) : () -> ()
    return
  }
}

</mosaic_0001>

<sc_bundles>
// kernel: _sc_pass_cnt.3.cloned.1.call-start
scs
__scs_entry_jumppad:
0x0: {  	(pc) =	sbr.rel $0x88, $3  }
0x1: {  	(tag) =	ssettag $0x0;
	lr =	simm.s32 $0x1  }
0x2: {  	[smem:$0x3F9E] =	sst lr;
	_ =	strace $0xD0000000  }
0x3: {  	_ = 	snop  }
0x4: {  	_ = 	snop  }
0x5: {  	_ = 	snop  }
0x6: {  	_ = 	snop  }
0x7: {  	_ = 	snop  }
__scs_overlays_trampoline_lowered:
0x8: {  	[smem:$0x3FAD] =	sst s0  }
0x9: {  	[smem:$0x3FAE] =	sst s1  }
0xa: {  	[smem:$0x3FAF] =	sst s2  }
0xb: {  	[smem:$0x3FB0] =	sst s3  }
0xc: {  	[smem:$0x3FB1] =	sst s4  }
0xd: {  	[smem:$0x3FB2] =	sst s5  }
0xe: {  	[smem:$0x3FB3] =	sst s6  }
0xf: {  	[smem:$0x3FB4] =	sst s7  }
0x10: {  	[smem:$0x3FB5] =	sst s8  }
0x11: {  	[smem:$0x3FB6] =	sst s9;
	s0 =	simm.s32 @!p0 $0x0  }
0x12: {  	s1 =	sld [smem:$0x3F9C];
	s0 =	simm.s32 @p0 $0x1  }
0x13: {  	[smem:$0x3FB7] =	sst s0;
	s0 =	simm.s32 @!p1 $0x0  }
0x14: {  	s2 =	sld [smem:$0x3F9B];
	s0 =	simm.s32 @p1 $0x1  }
0x15: {  	[smem:$0x3FB8] =	sst s0;
	s0 =	simm.s32 @!p2 $0x0  }
0x16: {  	s3 =	sld [smem:$0x3FDB];
	s0 =	simm.s32 @p2 $0x1  }
0x17: {  	s4 =	simm.s32 $0x1BF5;
	[smem:$0x3FBA] =	sst s0  }
0x18: {  	s0 =	sld [smem:$0x3F9D];
	_ =	swait.ge [sflag:s4], $0x0  }
0x19: {  	s7 =	sld [smem:$0x3F9E]  }
0x1a: {  	s8 =	sadd.s32 $0xFFFFE003, lr  }
0x1b: {  	s9 =	sadd.s32 $0xFFFFFEF7, lr;
	s5 =	simm.s32 $0xFFFFFFFF;
	p2 =	slt.u32 s8, $0xFFFFF086  }
0x1c: {  	p1 =	slt.u32 s9, $0xF7A;
	s5 =	simm.s32 @!p2 $0x0  }
0x1d: {  	s5 =	simm.s32 @p1 $0x1;
	p0 =	seq.s32 s7, s2  }
0x1e: {  	s7 =	smul.u32 @!p0 $0xF7A, s2;
	p2 =	seq.s32 @!p0 s5, $0x0  }
0x1f: {  	s9 =	smul.u32 $0xF7A, s1;
	s8 =	simm.s32 @!p0 $0x1BF5;
	p2 =	por !p2, p0  }
0x20: {  	[sflag:s8] =	ssyncset.s32 @!p0 $0xFFFFF086;
	s6 =	sadd.s32 @!p0 s3, s7;
	s7 =	simm.s32 @!p0 $0x108  }
0x21: {  	s3 =	sadd.s32 s3, s9;
	s6 =	sadd.s32 @!p0 $0x88, s6;
	s7 =	simm.s32 @p2 $0x1082  }
0x22: {  	[simem:s7], [sflag:s8] =	dma.local @!p0 [hbm:s6], $0xF7A  }
0x23: {  	s9 =	sor.u32 $0xD0000000, s2;
	s6 =	simm.s32 $0x108;
	_ =	swait.ge @!p0 [sflag:s8], $0x0  }
0x24: {  	s3 =	sadd.s32 $0x88, s3;
	s6 =	simm.s32 @!p1 $0x1082;
	[sflag:s4] =	ssyncset.s32 $0xFFFFF086  }
0x25: {  	[simem:s6], [sflag:s4] =	dma.local [hbm:s3], $0xF7A  }
0x26: {  	[smem:$0x3F9E] =	sst s1;
	(tag) =	ssettag s2;
	_ =	strace s9  }
0x27: {  	s1 =	sld [smem:$0x3FAE]  }
0x28: {  	s2 =	sld [smem:$0x3FAF]  }
0x29: {  	s4 =	sld [smem:$0x3FB1]  }
0x2a: {  	p0 =	seq.s32 s5, $0x0;
	s5 =	sld [smem:$0x3FB2]  }
0x2b: {  	s6 =	sld [smem:$0x3FB3]  }
0x2c: {  	s7 =	sld [smem:$0x3FB4]  }
0x2d: {  	s3 =	simm.s32 $0x108;
	s8 =	sld [smem:$0x3FB5]  }
0x2e: {  	s3 =	simm.s32 @!p0 $0x1082;
	s9 =	sld [smem:$0x3FB6]  }
0x2f: {  	lr =	sadd.s32 s0, s3;
	s0 =	sld [smem:$0x3FAD]  }
0x30: {  	s3 =	sld [smem:$0x3FB0]  }
0x31: {  	[smem:$0x3FB9] =	sst s10  }
0x32: {  	s10 =	sld [smem:$0x3FB7];
	_ =	sdelay $0x3  }
0x33: {  	p0 =	seq.s32 s10, $0x1;
	s10 =	sld [smem:$0x3FB9];
	_ =	sdelay $0x3  }
0x34: {  	[smem:$0x3FB9] =	sst s10  }
0x35: {  	s10 =	sld [smem:$0x3FB8];
	_ =	sdelay $0x3  }
0x36: {  	p1 =	seq.s32 s10, $0x1;
	s10 =	sld [smem:$0x3FB9];
	_ =	sdelay $0x3  }
0x37: {  	[smem:$0x3FB9] =	sst s10  }
0x38: {  	s10 =	sld [smem:$0x3FBA]  }
0x39: {  	_ = 	snop;
	(pc) =	sbr.ind lr, $3  }
0x3a: {  	_ = 	snop  }
0x3b: {  	_ = 	snop  }
0x3c: {  	p2 =	seq.s32 s10, $0x1;
	s10 =	sld [smem:$0x3FB9]  }
0x3d: {  	_ =	shalt  }
0x3e: {  	_ =	shalt  }
0x3f: {  	_ =	shalt  }
0x40: {  	_ =	shalt  }
0x41: {  	_ =	shalt  }
0x42: {  	_ =	shalt  }
0x43: {  	_ =	shalt  }
0x44: {  	_ =	shalt  }
0x45: {  	_ =	shalt  }
0x46: {  	_ =	shalt  }
0x47: {  	_ =	shalt  }
0x48: {  	_ =	shalt  }
0x49: {  	_ =	shalt  }
0x4a: {  	_ =	shalt  }
0x4b: {  	_ =	shalt  }
0x4c: {  	_ =	shalt  }
0x4d: {  	_ =	shalt  }
0x4e: {  	_ =	shalt  }
0x4f: {  	_ =	shalt  }
0x50: {  	_ =	shalt  }
0x51: {  	_ =	shalt  }
0x52: {  	_ =	shalt  }
0x53: {  	_ =	shalt  }
0x54: {  	_ =	shalt  }
0x55: {  	_ =	shalt  }
0x56: {  	_ =	shalt  }
0x57: {  	_ =	shalt  }
0x58: {  	_ =	shalt  }
0x59: {  	_ =	shalt  }
0x5a: {  	_ =	shalt  }
0x5b: {  	_ =	shalt  }
0x5c: {  	_ =	shalt  }
0x5d: {  	_ =	shalt  }
0x5e: {  	_ =	shalt  }
0x5f: {  	_ =	shalt  }
0x60: {  	_ =	shalt  }
0x61: {  	_ =	shalt  }
0x62: {  	_ =	shalt  }
0x63: {  	_ =	shalt  }
0x64: {  	_ =	shalt  }
0x65: {  	_ =	shalt  }
0x66: {  	_ =	shalt  }
0x67: {  	_ =	shalt  }
0x68: {  	_ =	shalt  }
0x69: {  	_ =	shalt  }
0x6a: {  	_ =	shalt  }
0x6b: {  	_ =	shalt  }
0x6c: {  	_ =	shalt  }
0x6d: {  	_ =	shalt  }
0x6e: {  	_ =	shalt  }
0x6f: {  	_ =	shalt  }
0x70: {  	_ =	shalt  }
0x71: {  	_ =	shalt  }
0x72: {  	_ =	shalt  }
0x73: {  	_ =	shalt  }
0x74: {  	_ =	shalt  }
0x75: {  	_ =	shalt  }
0x76: {  	_ =	shalt  }
0x77: {  	_ =	shalt  }
0x78: {  	_ =	shalt  }
0x79: {  	_ =	shalt  }
0x7a: {  	_ =	shalt  }
0x7b: {  	_ =	shalt  }
0x7c: {  	_ =	shalt  }
0x7d: {  	_ =	shalt  }
0x7e: {  	_ =	shalt  }
0x7f: {  	_ =	shalt  }
0x80: {  	_ =	shalt  }
0x81: {  	_ =	shalt  }
0x82: {  	_ =	shalt  }
0x83: {  	_ =	shalt  }
0x84: {  	_ =	shalt  }
0x85: {  	_ =	shalt  }
0x86: {  	_ =	shalt  }
0x87: {  	_ =	shalt  }
.Lfunc_end0:
.L_simem_size_0:
called_computation_lowered:
.L_overlay_start_0:
0x88: {  	s2 =	sld [smem:$0x3FD9]  }
0x89: {  	s3 =	sld [smem:$0x3FFE];
	_ =	sdelay $0x1  }
0x8a: {  	s1 =	srdreg.scid  }
0x8b: {  	s0 =	sand.u32 $0x1, s1  }
0x8c: {  	s18 =	sshll.u32 s0, $0xA;
	s2 =	sadd.s32 s3, s2  }
0x8d: {  	s2 =	sadd.s32 s2, s18  }
0x8e: {  	[smem:$0x3FC5] =	sst s2  }
0x8f: {  	_ = 	snop  }
0x90: {  	s2 =	sld [smem:$0x3FC9]  }
0x91: {  	s19 =	sld [smem:$0x3FC8]  }
0x92: {  	s4 =	sld [smem:$0x3FC7]  }
0x93: {  	s5 =	sld [smem:$0x3FD0];
	(tm) =	ssettm $0x1  }
0x94: {  	s6 =	sld [smem:$0x3FFB];
	_ =	sdelay $0x3  }
0x95: {  	_ =	strace s6  }
0x96: {  	s6 =	sld [smem:$0x3FFC];
	_ =	sdelay $0x3  }
0x97: {  	_ =	strace s6  }
0x98: {  	s6 =	sld [smem:$0x3FFD];
	_ =	sdelay $0x3  }
0x99: {  	_ =	strace s6  }
0x9a: {  	_ =	strace $0x8FFFFFFF  }
0x9b: {  	s20 =	sld [smem:$0x3FDB];
	_ =	sdelay $0x1  }
0x9c: {  	s7 =	simm.s32 $_scs_section_size  }
0x9d: {  	s8 =	simm.s32 $_size__tile_overlayer_lowered;
	s9 =	simm.s32 $_tile_overlayer_lowered  }
0x9e: {  	s23 =	simm.s32 $0x1BFF;
	s22 =	sshll.u32 s9, $0x1;
	s6 =	sadd.s32 s7, s20  }
0x9f: {  	s10 =	simm.s32 $0x0;
	s21 =	sshll.u32 s8, $0x1;
	s8 =	sadd.s32 s22, s6  }
0xa0: {  	[timem:s10], [sflag:s23] =	dma.local [hbm:s8], s21  }
0xa1: {  	_ =	swait.ge [sflag:s23], s21  }
0xa2: {  	s7 =	ssub.s32 $0x0, s21;
	[sflag:s23] =	ssyncset.done $0x0  }
0xa3: {  	[sflag:s23] =	ssyncadd.s32 s7;
	_ =	sdelay $0x1  }
0xa4: {  	s24 =	simm.s32 $0x1B8B  }
0xa5: {  	_ =	swait.ge [sflag:s24], $0x1  }
0xa6: {  	[sflag:s24] =	ssyncset.done $0x0  }
0xa7: {  	s25 =	simm.s32 $0x1B8E;
	[sflag:s24] =	ssyncadd.s32 $0xFFFFFFFF  }
0xa8: {  	s26 =	simm.s32 $execute0_lowered;
	[smem:$0x3FD2] =	sst s25  }
0xa9: {  	s7 =	sshll.u32 s26, $0x1;
	_ =	strace $0x80000046;
	[dreg:$0x1] =	wrdreg $0xFFFFFFFF  }
0xaa: {  	s28 =	simm.s32 $_size_execute0_lowered;
	s6 =	sadd.s32 s6, s7;
	[dreg:$0x0] =	wrdreg $0x0  }
0xab: {  	s7 =	sshll.u32 s28, $0x1;
	[dreg:$0x2] =	wrdreg s6  }
0xac: {  	[dreg:$0x3] =	wrdreg s7  }
0xad: {  	[dreg:$0x4] =	wrdreg $0xC0  }
0xae: {  	_ =	task [dreg:s10], $0x5FFFF  }
0xaf: {  	[dreg:$0x1] =	wrdreg $0xFFFFFFFF  }
0xb0: {  	[dreg:$0x0] =	wrdreg $0x60  }
0xb1: {  	[dreg:$0x2] =	wrdreg s2  }
0xb2: {  	[dreg:$0x3] =	wrdreg s19  }
0xb3: {  	[dreg:$0x4] =	wrdreg s4  }
0xb4: {  	[dreg:$0x5] =	wrdreg s5  }
0xb5: {  	[dreg:$0x6] =	wrdreg $0x7D800  }
0xb6: {  	[dreg:$0x7] =	wrdreg $0x9  }
0xb7: {  	_ =	task.clear_ibuf [dreg:s10], $0x8FFFF;
	_ =	strace $0x90000046  }
0xb8: {  	s29 =	simm.s32 $0x9;
	_ =	strace $0x80000048  }
0xb9: {  	_ =	swait.ge [sflag:s29], $0x1  }
0xba: {  	[sflag:s29] =	ssyncadd.s32 $0xFFFFFFFF  }
0xbb: {  	_ =	strace $0x90000048  }
0xbc: {  	_ =	sfence  }
0xbd: {  	s30 =	sld [smem:$0x0];
	_ =	sdelay $0x2  }
0xbe: {  	s31 =	sshll.u32 s1, $0xD;
	s1 =	sshrl.u32 s1, $0x2  }
0xbf: {  	s3 =	sand.u32 $0x4000, s31;
	s1 =	sadd.s32 s1, s30  }
0xc0: {  	s0 =	sor.u32 s3, s0;
	s1 =	sshll.u32 s1, $0x11  }
0xc1: {  	s0 =	sor.u32 s1, s0  }
0xc2: {  	s0 =	sadd.s32 $0x8F2B, s0  }
0xc3: {  	[sflag:s0] =	ssyncadd.remote.s32 $0x1  }
0xc4: {  	_ =	sfence.sel $0xFFFF  }
0xc5: {  	[dreg:$0x0] =	wrdreg $0xFFFFFFFF;
	(pc) =	sbr.abs _section_cstart, $3  }
0xc6: {  	[dreg:$0x1] =	wrdreg $0xFFFFFFFF  }
0xc7: {  	_ =	task.clear_ibuf [dreg:s10], $0x2FFFF;
	_ =	strace $0x9FFFFFFF  }
0xc8: {  	(tm) =	ssettm $0x7FFFFFFF  }
0xc9: {  	_ =	shalt  }
tec
execute0_lowered:
.L_overlay_start_1:
0x0: {  	(tag) =	ssettag $0x1  }
0x1: {  	s1 =	rddreg [dreg:$0x0]  }
0x2: {  	s0 =	rddreg [dreg:$0x1]  }
0x3: {  	s2 =	rddreg [dreg:$0x2]  }
0x4: {  	s10 =	rddreg [dreg:$0x3]  }
0x5: {  	s3 =	rddreg [dreg:$0x4]  }
0x6: {  	s5 =	srdreg.scid;
	s14 =	stileid.u32  }
0x7: {  	s4 =	simm.s32 $0x0;
	s15 =	simm.s32 $0x5;
	s16 =	simm.s32 $0x80  }
0x8: {  	s17 =	simm.s32 $0x60;
	s18 =	simm.s32 $0x380;
	s19 =	simm.s32 $0x6580  }
0x9: {  	s21 =	simm.s32 $0x200;
	s22 =	simm.s32 $0x4;
	s6 =	smul.u32 $0x28000, s14  }
0xa: {  	s23 =	simm.s32 $0x3380;
	s24 =	simm.s32 $0x1;
	s8 =	smul.u32 $0x4EC0, s14  }
0xb: {  	s25 =	simm.s32 $0x100;
	s28 =	simm.s32 $0x280;
	s26 =	smul.u32 $0xA000, s14  }
0xc: {  	s31 =	simm.s32 $0x3;
	s5 =	sand.u32 $0x1, s5;
	s14 =	smul.u32 $0x9D8, s14  }
0xd: {  	[smem:$0x7FF] =	sst s4;
	s7 =	ssub.s32 $0x2, s5;
	s11 =	smul.u32 $0xA0000, s5  }
0xe: {  	_ =	strace $0x80000047;
	s20 =	smul.u32 $0x1388, s5;
	s9 =	sshrl.u32 s7, $0x1  }
0xf: {  	s6 =	sshrl.u32 s6, $0x2;
	s8 =	sshrl.u32 s8, $0x3;
	s12 =	ssub.s32 s7, s9  }
0x10: {  	s5 =	sadd.s32 s6, s3;
	s29 =	sadd.s32 s0, s8;
	s7 =	sadd.s32 s2, s8  }
.Ltmp0:
0x11: {  	s9 =	sadd.s32 s26, s11;
	s30 =	sadd.s32 $0xC, s8;
	(pc) =	sbr.rel .LBB2_1-.Ltmp0, $4  }
0x12: {  	v9 =	vlaneseq.u32;
	v0 =	vmov s20;
	s20 =	simm.s32 $0x180;
	s26 =	simm.s32 $0x2;
	[dreg:$0x6] =	wrdreg s29  }
0x13: {  	v1 =	vimm.f32 $0.0e+00;
	v6 =	vimm.f32 $1.000000000e+00;
	v2 =	vadd.s32 $0x1388, v9;
	s13 =	sshrl.u32 s9, $0x3;
	s8 =	sadd.s32 s0, s30;
	s9 =	sadd.s32 s2, s30  }
0x14: {  	v3 =	vadd.s32 $0x1398, v9;
	v4 =	vadd.s32 $0x13A8, v9;
	v5 =	vadd.s32 $0x13B8, v9;
	s11 =	smax.u32 s12, $0x1;
	s12 =	sadd.s32 s14, s2;
	s10 =	sadd.s32 s10, s13  }
0x15: {  	v7 =	vadd.s32 $0x13C8, v9;
	v8 =	vadd.s32 $0x13D8, v9;
	v9 =	vadd.s32 $0x13E8, v9;
	s13 =	sadd.s32 s14, s0;
	s14 =	simm.s32 $0x6380;
	s0 =	simm.s32 $0x0  }
.LBB2_8:
0x16: {  	_ =	swait.ge [sflag:s26], $0x3000  }
0x17: {  	[sflag:s26] =	ssyncset.done $0x0  }
0x18: {  	[sflag:s26] =	ssyncadd.s32 $0xFFFFD000  }
0x19: {  	[spmem:s3] =	stream.indirect.scatter.add.f32 [tilespmem:s23], [sflag:$0x5], $0x80, s28, s17, $0xb8;
	[tilespmem:$0x11D80] =	vst v63  }
0x1a: {  	_ =	swait.ge [sflag:s15], $0x3000  }
0x1b: {  	[sflag:s15] =	ssyncset.done $0x0  }
0x1c: {  	s2 =	simm.s32 $0x30;
	s6 =	simm.s32 $0x300;
	[sflag:s15] =	ssyncadd.s32 $0xFFFFD000  }
0x1d: {  	[spmem:s3] =	stream.indirect.scatter.add.f32 [tilespmem:s19], [sflag:$0x5], $0x80, s6, s2, $0xb8;
	[tilespmem:$0x11D80] =	vst v63  }
0x1e: {  	s29 =	stileid.u32;
	_ =	swait.ge [sflag:s15], $0x1800  }
0x1f: {  	s30 =	sshrl.u32 s5, $0x3;
	s0 =	sadd.s32 $0x1, s0;
	[sflag:s15] =	ssyncset.done $0x0  }
0x20: {  	p0 =	sne.s32 s0, s11;
	s2 =	sshll.u32 s29, $0x6;
	[sflag:s15] =	ssyncadd.s32 $0xFFFFE800  }
.Ltmp1:
0x21: {  	s2 =	sor.u32 $0x1C05, s2;
	[bflag:$0x0] =	sbarrier.arrive $0xFFFF;
	(pc) =	sbr.rel @!p0 .LBB2_9-.Ltmp1, $4  }
0x22: {  	[hbm:s10], [sflag:s2] =	dma.local [spmem:s30], $0x1400  }
0x23: {  	_ =	swait.ge [sflag:s15], $0x1400  }
0x24: {  	[sflag:s15] =	ssyncset.done $0x0  }
0x25: {  	[sflag:s15] =	ssyncadd.s32 $0xFFFFEC00  }
.LBB2_1:
0x26: {  	[tilespmem:$0x6380] =	vst v1  }
0x27: {  	[tilespmem:$0x6390] =	vst v1  }
0x28: {  	[tilespmem:$0x63A0] =	vst v1  }
0x29: {  	[tilespmem:$0x63B0] =	vst v1  }
0x2a: {  	[tilespmem:$0x63C0] =	vst v1  }
0x2b: {  	[tilespmem:$0x63D0] =	vst v1  }
0x2c: {  	[tilespmem:$0x63E0] =	vst v1  }
0x2d: {  	[tilespmem:$0x63F0] =	vst v1  }
0x2e: {  	[tilespmem:$0x6400] =	vst v1  }
0x2f: {  	[tilespmem:$0x6410] =	vst v1  }
0x30: {  	[tilespmem:$0x6420] =	vst v1  }
0x31: {  	[tilespmem:$0x6430] =	vst v1  }
0x32: {  	[tilespmem:$0x6440] =	vst v1  }
0x33: {  	[tilespmem:$0x6450] =	vst v1  }
0x34: {  	[tilespmem:$0x6460] =	vst v1  }
0x35: {  	[tilespmem:$0x6470] =	vst v1  }
0x36: {  	[tilespmem:$0x6480] =	vst v1  }
0x37: {  	[tilespmem:$0x6490] =	vst v1  }
0x38: {  	[tilespmem:$0x64A0] =	vst v1  }
0x39: {  	[tilespmem:$0x64B0] =	vst v1  }
0x3a: {  	[tilespmem:$0x64C0] =	vst v1  }
0x3b: {  	[tilespmem:$0x64D0] =	vst v1  }
0x3c: {  	[tilespmem:$0x64E0] =	vst v1  }
0x3d: {  	[tilespmem:$0x64F0] =	vst v1  }
0x3e: {  	[tilespmem:$0x6500] =	vst v1  }
0x3f: {  	[tilespmem:$0x6510] =	vst v1  }
0x40: {  	[tilespmem:$0x6520] =	vst v1  }
0x41: {  	[tilespmem:$0x6530] =	vst v1  }
0x42: {  	[tilespmem:$0x6540] =	vst v1  }
0x43: {  	[tilespmem:$0x6550] =	vst v1  }
0x44: {  	[tilespmem:$0x6560] =	vst v1  }
0x45: {  	[tilespmem:$0x6570] =	vst v1;
	s2 =	simm.s32 $0x70;
	s29 =	simm.s32 $0x3C0  }
.LBB2_2:
0x46: {  	p0 =	sne.s32 s29, $0x5FC0;
	[tilespmem:s2+$0x6580] =	vst v1  }
0x47: {  	[tilespmem:s2+$0x6510] =	vst v1  }
0x48: {  	[tilespmem:s2+$0x6520] =	vst v1  }
.Ltmp2:
0x49: {  	[tilespmem:s2+$0x6530] =	vst v1;
	(pc) =	sbr.rel @p0 .LBB2_2-.Ltmp2, $4  }
0x4a: {  	[tilespmem:s2+$0x6540] =	vst v1  }
0x4b: {  	[tilespmem:s2+$0x6550] =	vst v1  }
0x4c: {  	[tilespmem:s2+$0x6560] =	vst v1  }
0x4d: {  	[tilespmem:s2+$0x6570] =	vst v1;
	s2 =	sshra.s32 s29, $0x2;
	s29 =	sadd.s32 $0x200, s29  }
0x4e: {  	[tilespmem:s2+$0x6580] =	vst v1  }
0x4f: {  	[tilespmem:s2+$0x6510] =	vst v1  }
0x50: {  	[tilespmem:s2+$0x6520] =	vst v1  }
0x51: {  	[tilespmem:s2+$0x6530] =	vst v1  }
0x52: {  	[tilespmem:s2+$0x6540] =	vst v1  }
0x53: {  	[tilespmem:s2+$0x6550] =	vst v1  }
0x54: {  	[tilespmem:s2+$0x6560] =	vst v1  }
0x55: {  	[tilespmem:s2+$0x6570] =	vst v1  }
0x56: {  	[tilespmem:$0x300] =	vst v2  }
0x57: {  	[tilespmem:$0x310] =	vst v3  }
0x58: {  	s30 =	sadd.s32 $0x0, s5;
	[tilespmem:$0x320] =	vst v4  }
0x59: {  	[spmem:s30] =	stream.linear.scatter [tilespmem:s14], [sflag:$0x5], $0x200, $0x38;
	[tilespmem:$0x11D80] =	vst v63  }
0x5a: {  	s2 =	simm.s32 $0x800;
	_ =	swait.ge [sflag:s15], $0x200  }
.LBB2_4:
0x5b: {  	s29 =	sshra.s32 s2, $0x2;
	[sflag:s15] =	ssyncset.done $0x0;
	p0 =	sne.s32 s2, $0x27800  }
.Ltmp3:
0x5c: {  	s29 =	sadd.s32 s29, s5;
	[sflag:s15] =	ssyncadd.s32 $0xFFFFFE00;
	(pc) =	sbr.rel @p0 .LBB2_4-.Ltmp3, $3  }
0x5d: {  	[spmem:s29] =	stream.linear.scatter [tilespmem:s14], [sflag:$0x5], $0x200, $0x38;
	[tilespmem:$0x11D80] =	vst v63  }
0x5e: {  	s2 =	sadd.s32 $0x800, s2;
	_ =	sdelay $0x1  }
0x5f: {  	_ =	swait.ge [sflag:s15], $0x200  }
0x60: {  	[sflag:s15] =	ssyncset.done $0x0  }
0x61: {  	[sflag:s15] =	ssyncadd.s32 $0xFFFFFE00  }
0x62: {  	[bflag:$0x0] =	sbarrier.arrive $0xFFFF  }
0x63: {  	s2 =	rddreg [dreg:$0x6]  }
0x64: {  	[tilespmem:s4], [sflag:$0x5] =	stream.linear.gather [hbm4b:s2+s4], $0x60, $0x38;
	[tilespmem:$0x11D80] =	vst v63  }
0x65: {  	_ =	swait.ge [sflag:s15], $0x60  }
0x66: {  	[sflag:s15] =	ssyncset.done $0x0  }
0x67: {  	[sflag:s15] =	ssyncadd.s32 $0xFFFFFFA0  }
0x68: {  	[tilespmem:s16], [sflag:$0x5] =	stream.linear.gather [hbm4b:s7+s4], $0x60, $0x38;
	[tilespmem:$0x11D80] =	vst v63  }
0x69: {  	_ =	swait.ge [sflag:s15], $0x60  }
0x6a: {  	[sflag:s15] =	ssyncset.done $0x0  }
0x6b: {  	[sflag:s15] =	ssyncadd.s32 $0xFFFFFFA0  }
0x6c: {  	[tilespmem:s18], [sflag:$0x1] =	stream.indirect.gather [hbm4b:s1+s17], $0x80, s4, s17, $0xb8;
	[tilespmem:$0x11D80] =	vst v63  }
0x6d: {  	v10 =	vld [tilespmem:$0x80];
	_ =	sdelay $0x4  }
0x6e: {  	v10 =	vsub.s32 v10, v0  }
0x6f: {  	vm0 =	vlt.u32 v10, $0x1388  }
0x70: {  	v11 =	vnsel vm0, $0x0, v10;
	_ =	sdelay $0x2  }
0x71: {  	v10 =	vsel vm0, v10, v5  }
0x72: {  	[tilespmem:$0x100] =	vst v10  }
0x73: {  	[tilespmem:v11+s19+$0x0] =	vst.idx.add.f32.msk vm0, v6  }
0x74: {  	v10 =	vld [tilespmem:$0x90];
	_ =	sdelay $0x4  }
0x75: {  	v10 =	vsub.s32 v10, v0  }
0x76: {  	vm11 =	vlt.u32 v10, $0x1388  }
0x77: {  	v11 =	vnsel vm11, $0x0, v10;
	_ =	sdelay $0x2  }
0x78: {  	v10 =	vsel vm11, v10, v7  }
0x79: {  	[tilespmem:$0x110] =	vst v10  }
0x7a: {  	[tilespmem:v11+s19+$0x0] =	vst.idx.add.f32.msk vm11, v6  }
0x7b: {  	v10 =	vld [tilespmem:$0xA0];
	_ =	sdelay $0x4  }
0x7c: {  	v10 =	vsub.s32 v10, v0  }
0x7d: {  	vm12 =	vlt.u32 v10, $0x1388  }
0x7e: {  	v11 =	vnsel vm12, $0x0, v10;
	_ =	sdelay $0x2  }
0x7f: {  	v10 =	vsel vm12, v10, v8  }
0x80: {  	[tilespmem:$0x120] =	vst v10  }
0x81: {  	[tilespmem:v11+s19+$0x0] =	vst.idx.add.f32.msk vm12, v6  }
0x82: {  	v10 =	vld [tilespmem:$0xB0];
	_ =	sdelay $0x4  }
0x83: {  	v10 =	vsub.s32 v10, v0  }
0x84: {  	vm13 =	vlt.u32 v10, $0x1388  }
0x85: {  	v11 =	vnsel vm13, $0x0, v10;
	_ =	sdelay $0x2  }
0x86: {  	v10 =	vsel vm13, v10, v9  }
0x87: {  	[tilespmem:$0x130] =	vst v10  }
0x88: {  	[tilespmem:v11+s19+$0x0] =	vst.idx.add.f32.msk vm13, v6  }
0x89: {  	v10 =	vld [tilespmem:$0xC0];
	_ =	sdelay $0x4  }
0x8a: {  	v10 =	vsub.s32 v10, v0  }
0x8b: {  	vm14 =	vlt.u32 v10, $0x1388  }
0x8c: {  	v11 =	vnsel vm14, $0x0, v10;
	_ =	sdelay $0x2  }
0x8d: {  	v10 =	vsel vm14, v10, v5  }
0x8e: {  	[tilespmem:$0x140] =	vst v10  }
0x8f: {  	[tilespmem:v11+s19+$0x0] =	vst.idx.add.f32.msk vm14, v6  }
0x90: {  	v10 =	vld [tilespmem:$0xD0];
	_ =	sdelay $0x4  }
0x91: {  	v10 =	vsub.s32 v10, v0  }
0x92: {  	vm15 =	vlt.u32 v10, $0x1388  }
0x93: {  	v11 =	vnsel vm15, $0x0, v10;
	_ =	sdelay $0x2  }
0x94: {  	v10 =	vsel vm15, v10, v7  }
0x95: {  	[tilespmem:$0x150] =	vst v10  }
0x96: {  	[tilespmem:v11+s19+$0x0] =	vst.idx.add.f32.msk vm15, v6  }
0x97: {  	[tilespmem:s20], [sflag:$0x4] =	stream.linear.gather [hbm4b:s8+s4], $0x60, $0x38;
	[tilespmem:$0x11D80] =	vst v63  }
0x98: {  	s2 =	simm.s32 $0xFFFFF640  }
0x99: {  	[tilespmem:s21], [sflag:$0x4] =	stream.linear.gather [hbm4b:s9+s4], $0x60, $0x38;
	[tilespmem:$0x11D80] =	vst v63  }
.LBB2_6:
0x9a: {  	_ =	swait.ge [sflag:s22], $0x60  }
0x9b: {  	[sflag:s22] =	ssyncset.done $0x0  }
0x9c: {  	[sflag:s22] =	ssyncadd.s32 $0xFFFFFFA0  }
0x9d: {  	_ =	swait.ge [sflag:s22], $0x60  }
0x9e: {  	[sflag:s22] =	ssyncset.done $0x0  }
0x9f: {  	[sflag:s22] =	ssyncadd.s32 $0xFFFFFFA0  }
0xa0: {  	[tilespmem:s23], [sflag:$0x2] =	stream.indirect.gather [hbm4b:s1+s17], $0x80, s20, s17, $0xb8;
	[tilespmem:$0x11D80] =	vst v63  }
0xa1: {  	v10 =	vld [tilespmem:$0x200];
	_ =	sdelay $0x4  }
0xa2: {  	v10 =	vsub.s32 v10, v0  }
0xa3: {  	vm0 =	vlt.u32 v10, $0x1388  }
0xa4: {  	v11 =	vnsel vm0, $0x0, v10;
	_ =	sdelay $0x2  }
0xa5: {  	v10 =	vsel vm0, v10, v5  }
0xa6: {  	[tilespmem:$0x280] =	vst v10  }
0xa7: {  	[tilespmem:v11+s19+$0x0] =	vst.idx.add.f32.msk vm0, v6  }
0xa8: {  	v10 =	vld [tilespmem:$0x210];
	_ =	sdelay $0x4  }
0xa9: {  	v10 =	vsub.s32 v10, v0  }
0xaa: {  	vm11 =	vlt.u32 v10, $0x1388  }
0xab: {  	v11 =	vnsel vm11, $0x0, v10;
	_ =	sdelay $0x2  }
0xac: {  	v10 =	vsel vm11, v10, v7  }
0xad: {  	[tilespmem:$0x290] =	vst v10  }
0xae: {  	[tilespmem:v11+s19+$0x0] =	vst.idx.add.f32.msk vm11, v6  }
0xaf: {  	v10 =	vld [tilespmem:$0x220];
	_ =	sdelay $0x4  }
0xb0: {  	v10 =	vsub.s32 v10, v0  }
0xb1: {  	vm12 =	vlt.u32 v10, $0x1388  }
0xb2: {  	v11 =	vnsel vm12, $0x0, v10;
	_ =	sdelay $0x2  }
0xb3: {  	v10 =	vsel vm12, v10, v8  }
0xb4: {  	[tilespmem:$0x2A0] =	vst v10  }
0xb5: {  	[tilespmem:v11+s19+$0x0] =	vst.idx.add.f32.msk vm12, v6  }
0xb6: {  	v10 =	vld [tilespmem:$0x230];
	_ =	sdelay $0x4  }
0xb7: {  	v10 =	vsub.s32 v10, v0  }
0xb8: {  	vm13 =	vlt.u32 v10, $0x1388  }
0xb9: {  	v11 =	vnsel vm13, $0x0, v10;
	_ =	sdelay $0x2  }
0xba: {  	v10 =	vsel vm13, v10, v9  }
0xbb: {  	[tilespmem:$0x2B0] =	vst v10  }
0xbc: {  	[tilespmem:v11+s19+$0x0] =	vst.idx.add.f32.msk vm13, v6  }
0xbd: {  	v10 =	vld [tilespmem:$0x240];
	_ =	sdelay $0x4  }
0xbe: {  	v10 =	vsub.s32 v10, v0  }
0xbf: {  	vm14 =	vlt.u32 v10, $0x1388  }
0xc0: {  	v11 =	vnsel vm14, $0x0, v10;
	_ =	sdelay $0x2  }
0xc1: {  	v10 =	vsel vm14, v10, v5  }
0xc2: {  	[tilespmem:$0x2C0] =	vst v10  }
0xc3: {  	[tilespmem:v11+s19+$0x0] =	vst.idx.add.f32.msk vm14, v6  }
0xc4: {  	v10 =	vld [tilespmem:$0x250];
	_ =	sdelay $0x4  }
0xc5: {  	v10 =	vsub.s32 v10, v0  }
0xc6: {  	vm15 =	vlt.u32 v10, $0x1388  }
0xc7: {  	v11 =	vnsel vm15, $0x0, v10;
	_ =	sdelay $0x2  }
0xc8: {  	v10 =	vsel vm15, v10, v7  }
0xc9: {  	[tilespmem:$0x2D0] =	vst v10  }
0xca: {  	[tilespmem:v11+s19+$0x0] =	vst.idx.add.f32.msk vm15, v6  }
0xcb: {  	_ =	swait.ge [sflag:s24], $0x3000  }
0xcc: {  	p0 =	seq.s32 s2, $0x0;
	[sflag:s24] =	ssyncset.done $0x0  }
.Ltmp4:
0xcd: {  	[sflag:s24] =	ssyncadd.s32 $0xFFFFD000;
	(pc) =	sbr.rel @p0 .LBB2_8-.Ltmp4, $4  }
0xce: {  	[spmem:s3] =	stream.indirect.scatter.add.f32 [tilespmem:s18], [sflag:$0x5], $0x80, s25, s17, $0xb8;
	[tilespmem:$0x11D80] =	vst v63  }
0xcf: {  	_ =	swait.ge [sflag:s15], $0x3000  }
0xd0: {  	[sflag:s15] =	ssyncset.done $0x0  }
0xd1: {  	[sflag:s15] =	ssyncadd.s32 $0xFFFFD000  }
0xd2: {  	s29 =	sadd.s32 s2, s13  }
0xd3: {  	s30 =	sadd.s32 $0x9D8, s29  }
0xd4: {  	[tilespmem:s4], [sflag:$0x3] =	stream.linear.gather [hbm4b:s30+s4], $0x60, $0x38;
	[tilespmem:$0x11D80] =	vst v63  }
0xd5: {  	s30 =	sadd.s32 s2, s12  }
0xd6: {  	s6 =	sadd.s32 $0x9D8, s30  }
0xd7: {  	[tilespmem:s16], [sflag:$0x3] =	stream.linear.gather [hbm4b:s6+s4], $0x60, $0x38;
	[tilespmem:$0x11D80] =	vst v63  }
0xd8: {  	_ =	swait.ge [sflag:s26], $0x3000  }
0xd9: {  	[sflag:s26] =	ssyncset.done $0x0  }
0xda: {  	[sflag:s26] =	ssyncadd.s32 $0xFFFFD000  }
0xdb: {  	[spmem:s3] =	stream.indirect.scatter.add.f32 [tilespmem:s23], [sflag:$0x5], $0x80, s28, s17, $0xb8;
	[tilespmem:$0x11D80] =	vst v63  }
0xdc: {  	_ =	swait.ge [sflag:s15], $0x3000  }
0xdd: {  	[sflag:s15] =	ssyncset.done $0x0  }
0xde: {  	[sflag:s15] =	ssyncadd.s32 $0xFFFFD000  }
0xdf: {  	_ =	swait.ge [sflag:s31], $0x60  }
0xe0: {  	[sflag:s31] =	ssyncset.done $0x0  }
0xe1: {  	[sflag:s31] =	ssyncadd.s32 $0xFFFFFFA0  }
0xe2: {  	_ =	swait.ge [sflag:s31], $0x60  }
0xe3: {  	[sflag:s31] =	ssyncset.done $0x0  }
0xe4: {  	[sflag:s31] =	ssyncadd.s32 $0xFFFFFFA0  }
0xe5: {  	[tilespmem:s18], [sflag:$0x1] =	stream.indirect.gather [hbm4b:s1+s17], $0x80, s4, s17, $0xb8;
	[tilespmem:$0x11D80] =	vst v63  }
0xe6: {  	v10 =	vld [tilespmem:$0x80];
	_ =	sdelay $0x4  }
0xe7: {  	v10 =	vsub.s32 v10, v0  }
0xe8: {  	vm0 =	vlt.u32 v10, $0x1388  }
0xe9: {  	v11 =	vnsel vm0, $0x0, v10;
	_ =	sdelay $0x2  }
0xea: {  	v10 =	vsel vm0, v10, v5  }
0xeb: {  	[tilespmem:$0x100] =	vst v10  }
0xec: {  	[tilespmem:v11+s19+$0x0] =	vst.idx.add.f32.msk vm0, v6  }
0xed: {  	v10 =	vld [tilespmem:$0x90];
	_ =	sdelay $0x4  }
0xee: {  	v10 =	vsub.s32 v10, v0  }
0xef: {  	vm11 =	vlt.u32 v10, $0x1388  }
0xf0: {  	v11 =	vnsel vm11, $0x0, v10;
	_ =	sdelay $0x2  }
0xf1: {  	v10 =	vsel vm11, v10, v7  }
0xf2: {  	[tilespmem:$0x110] =	vst v10  }
0xf3: {  	[tilespmem:v11+s19+$0x0] =	vst.idx.add.f32.msk vm11, v6  }
0xf4: {  	v10 =	vld [tilespmem:$0xA0];
	_ =	sdelay $0x4  }
0xf5: {  	v10 =	vsub.s32 v10, v0  }
0xf6: {  	vm12 =	vlt.u32 v10, $0x1388  }
0xf7: {  	v11 =	vnsel vm12, $0x0, v10;
	_ =	sdelay $0x2  }
0xf8: {  	v10 =	vsel vm12, v10, v8  }
0xf9: {  	[tilespmem:$0x120] =	vst v10  }
0xfa: {  	[tilespmem:v11+s19+$0x0] =	vst.idx.add.f32.msk vm12, v6  }
0xfb: {  	v10 =	vld [tilespmem:$0xB0];
	_ =	sdelay $0x4  }
0xfc: {  	v10 =	vsub.s32 v10, v0  }
0xfd: {  	vm13 =	vlt.u32 v10, $0x1388  }
0xfe: {  	v11 =	vnsel vm13, $0x0, v10;
	_ =	sdelay $0x2  }
0xff: {  	v10 =	vsel vm13, v10, v9  }
0x100: {  	[tilespmem:$0x130] =	vst v10  }
0x101: {  	[tilespmem:v11+s19+$0x0] =	vst.idx.add.f32.msk vm13, v6  }
0x102: {  	v10 =	vld [tilespmem:$0xC0];
	_ =	sdelay $0x4  }
0x103: {  	v10 =	vsub.s32 v10, v0  }
0x104: {  	vm14 =	vlt.u32 v10, $0x1388  }
0x105: {  	v11 =	vnsel vm14, $0x0, v10;
	_ =	sdelay $0x2  }
0x106: {  	v10 =	vsel vm14, v10, v5  }
0x107: {  	[tilespmem:$0x140] =	vst v10  }
0x108: {  	[tilespmem:v11+s19+$0x0] =	vst.idx.add.f32.msk vm14, v6  }
0x109: {  	v10 =	vld [tilespmem:$0xD0];
	_ =	sdelay $0x4  }
0x10a: {  	v10 =	vsub.s32 v10, v0  }
0x10b: {  	vm15 =	vlt.u32 v10, $0x1388  }
0x10c: {  	v11 =	vnsel vm15, $0x0, v10;
	_ =	sdelay $0x2  }
0x10d: {  	v10 =	vsel vm15, v10, v7  }
.Ltmp5:
0x10e: {  	[tilespmem:$0x150] =	vst v10;
	(pc) =	sbr.rel .LBB2_6-.Ltmp5, $4  }
0x10f: {  	s29 =	sadd.s32 $0x9E4, s29;
	[tilespmem:v11+s19+$0x0] =	vst.idx.add.f32.msk vm15, v6  }
0x110: {  	[tilespmem:s20], [sflag:$0x4] =	stream.linear.gather [hbm4b:s29+s4], $0x60, $0x38;
	[tilespmem:$0x11D80] =	vst v63  }
0x111: {  	s2 =	sadd.s32 $0x18, s2;
	s30 =	sadd.s32 $0x9E4, s30  }
0x112: {  	[tilespmem:s21], [sflag:$0x4] =	stream.linear.gather [hbm4b:s30+s4], $0x60, $0x38;
	[tilespmem:$0x11D80] =	vst v63  }
.LBB2_9:
0x113: {  	_ =	sfence.sel $0x180000  }
0x114: {  	[bflag:$0x0] =	sbarrier.arrive $0xFFFF  }
0x115: {  	_ =	strace $0x90000047  }
0x116: {  	s0 =	stileid.u32;
	[bflag:$0x2] =	sbarrier.arrive $0xFFFF  }
0x117: {  	p0 =	sne.s32 s0, $0x0;
	s0 =	rddreg [dreg:$0x5]  }
0x118: {  	s0 =	sadd.s32 @!p0 $0x100000, s0  }
0x119: {  	[sflag:s0] =	ssyncadd.tile.s32 @!p0 $0x1;
	_ =	shalt  }
.Lfunc_end2:
_tile_overlayer_lowered:
.L_overlay_start_2:
0x11a: {  	(tag) =	ssettag $0x2  }
0x11b: {  	s0 =	rddreg [dreg:$0x0];
	s2 =	stileid.u32  }
0x11c: {  	s1 =	rddreg [dreg:$0x1];
	p0 =	sne.s32 s2, $0x0  }
0x11d: {  	s3 =	rddreg [dreg:$0x2];
	[bflag:$0x3] =	sbarrier.arrive $0xFFFF;
	s2 =	simm.s32 @!p0 $0x1C05  }
0x11e: {  	[timem:s3], [sflag:s2] =	dma.local @!p0 [hbm:s0], s1  }
0x11f: {  	s0 =	simm.s32 @!p0 $0x5  }
0x120: {  	_ =	swait.ge @!p0 [sflag:s0], s1  }
0x121: {  	s1 =	ssub.s32 @!p0 $0x0, s1;
	[sflag:s0] =	ssyncset.done @!p0 $0x0  }
0x122: {  	[sflag:s0] =	ssyncadd.s32 @!p0 s1  }
0x123: {  	[bflag:$0x3] =	sbarrier.arrive $0xFFFF  }
0x124: {  	_ =	shalt  }

</sc_bundles>
